<compile_context>
chip_gen: v7x
topology: tpu7x:2x2x1
jax: 0.10.2.dev20260603
libtpu: 0.0.44.dev20260713+nightly
codegen_flags: <defaults>
</compile_context>

<pallas_src>
import functools

import jax
import jax.numpy as jnp
from jax import lax
from jax.experimental import pallas as pl
from jax.experimental.pallas import tpu as pltpu
from jax.experimental.pallas import tpu_sc as plsc

_K = 96


def _build_sc_kernel(d, n_cfg, mid, n_half, n_acc, rows_main, rows_last,
                     zrows, zlast, e_pad):
  mesh = plsc.VectorSubcoreMesh(core_axis_name="c", subcore_axis_name="s")

  @functools.partial(
      pl.kernel,
      mesh=mesh,
      compiler_params=pltpu.CompilerParams(use_tc_tiling_on_sc=True),
      out_type=jax.ShapeDtypeStruct((n_cfg, d // 128, 128), jnp.float32),
      scratch_types=[
          pltpu.VMEM((32,), jnp.int32),
          pltpu.VMEM((_K,), jnp.int32),
          pltpu.VMEM((_K,), jnp.int32),
          pltpu.VMEM((_K,), jnp.int32),
          pltpu.VMEM((_K,), jnp.int32),
          pltpu.VMEM((_K,), jnp.int32),
          pltpu.VMEM((_K, d // 128, 128), jnp.float32),
          pltpu.VMEM((_K, d // 128, 128), jnp.float32),
          pltpu.VMEM_SHARED((n_acc, d // 128, 128), jnp.float32),
          pltpu.SemaphoreType.DMA,
          pltpu.SemaphoreType.DMA,
          pltpu.SemaphoreType.DMA,
      ],
  )
  def body(table_hbm, keys_hbm, segs_hbm, params_hbm, zeros_hbm, out_hbm,
           prm, key0, key1, segr, loc0, loc1, rows0, rows1, acc,
           sem0, sem1, isem):
    c = lax.axis_index("c")
    s = lax.axis_index("s")

    pltpu.sync_copy(params_hbm, prm)

    @pl.when(s < 15)
    def _():
      pltpu.sync_copy(zeros_hbm.at[pl.ds(0, zrows)],
                      acc.at[pl.ds(s * zrows, zrows)])

    @pl.when(s == 15)
    def _():
      pltpu.sync_copy(zeros_hbm.at[pl.ds(0, zlast)],
                      acc.at[pl.ds(15 * zrows, zlast)])

    pv = prm[pl.ds(pl.multiple_of(c * 8, 8), 16)]
    n_chunks = pv[0]
    a_c = pv[1]
    base_seg = c * mid
    n_my = jnp.maximum(0, (n_chunks - s + 15) // 16)
    plsc.subcore_barrier()

    def prep(t, keyb, locb, rowsb, sem):
      base = pl.multiple_of(a_c, 8) + (t * 16 + s) * _K
      pltpu.async_copy(keys_hbm.at[pl.ds(base, _K)], keyb, isem)
      pltpu.async_copy(segs_hbm.at[pl.ds(base, _K)], segr, isem)
      pltpu.make_async_copy(keys_hbm.at[pl.ds(base, _K)], keyb, isem).wait()
      pltpu.make_async_copy(segs_hbm.at[pl.ds(base, _K)], segr, isem).wait()
      for i in range(_K // 16):
        sl = pl.ds(i * 16, 16)
        sv = segr[sl] - base_seg
        ok = (sv >= 0) & (sv < mid)
        locb[sl] = jnp.where(ok, sv, mid)
      return pltpu.async_copy(table_hbm.at[keyb], rowsb, sem)

    @pl.when(n_my > 0)
    def _():
      prep(0, key0, loc0, rows0, sem0)

    def step(t, carry):
      a = 2 * t
      b = 2 * t + 1

      @pl.when(b < n_my)
      def _():
        prep(b, key1, loc1, rows1, sem1)

      pltpu.make_async_copy(table_hbm.at[key0], rows0, sem0).wait()
      pltpu.sync_copy(rows0, acc.at[loc0], add=True)

      @pl.when(b + 1 < n_my)
      def _():
        prep(b + 1, key0, loc0, rows0, sem0)

      @pl.when(b < n_my)
      def _():
        pltpu.make_async_copy(table_hbm.at[key1], rows1, sem1).wait()
        pltpu.sync_copy(rows1, acc.at[loc1], add=True)

      return carry

    lax.fori_loop(0, (n_my + 1) // 2, step, 0)
    plsc.subcore_barrier()

    @pl.when(s < 15)
    def _():
      r0 = pl.multiple_of(s * rows_main, 8)
      pltpu.sync_copy(acc.at[pl.ds(r0, rows_main)],
                      out_hbm.at[pl.ds(c * mid + r0, rows_main)])

    @pl.when(s == 15)
    def _():
      r0 = 15 * rows_main
      pltpu.sync_copy(acc.at[pl.ds(r0, rows_last)],
                      out_hbm.at[pl.ds(c * mid + r0, rows_last)])

  return body


def kernel(ast_nodes_encodings,
           ast_node_idx_to_pdg_node_idx_mapping_key,
           ast_node_idx_to_pdg_node_idx_mapping_value,
           pdg_node_idx_to_sub_ast_root_idx_mapping_key,
           pdg_node_idx_to_sub_ast_root_idx_mapping_value,
           nr_cfg_nodes):
  table = ast_nodes_encodings
  keys = ast_node_idx_to_pdg_node_idx_mapping_key
  segs = ast_node_idx_to_pdg_node_idx_mapping_value
  n_ast, d = table.shape
  e = keys.shape[0]
  n_cfg = pdg_node_idx_to_sub_ast_root_idx_mapping_key.shape[0]
  mid = n_cfg // 2

  e_pad = -(-e // _K) * _K
  pad = e_pad - e
  keys_p = jnp.concatenate(
      [keys.astype(jnp.int32), jnp.zeros((pad,), jnp.int32)])
  segs_p = jnp.concatenate(
      [segs.astype(jnp.int32), jnp.full((pad,), n_cfg, jnp.int32)])

  p = jnp.sum(segs_p < mid).astype(jnp.int32)
  a1 = (p // _K) * _K
  count0 = (p + _K - 1) // _K
  count1 = (e_pad - a1) // _K
  params = jnp.zeros((32,), jnp.int32)
  params = params.at[0].set(count0).at[8].set(count1).at[9].set(a1)

  n_half = n_cfg - mid
  n_acc = -(-(mid + 1) // 8) * 8
  zrows = -(-n_acc // (16 * 8)) * 8
  zlast = n_acc - 15 * zrows
  rows_main = (mid // (16 * 8)) * 8
  rows_last = mid - 15 * rows_main
  zeros = jnp.zeros((max(zrows, zlast), d // 128, 128), jnp.float32)

  body = _build_sc_kernel(d, n_cfg, mid, n_half, n_acc, rows_main,
                          rows_last, zrows, zlast, e_pad)
  out = body(table.reshape(n_ast, d // 128, 128), keys_p, segs_p, params,
             zeros)
  return out.reshape(n_cfg, d)

# --- scband reference (transcript-rebuilt; emitter-appended) ---
"""Pipeline reference for scband-cfgsub-astexpression-combiner-58274116272163 (READ-ONLY COPY).

The authoritative reference and input builder live on the scoring server;
editing this copy changes nothing except your own understanding.
"""

import jax, jax.numpy as jnp
import numpy as np

N_AST, D, E, N_CFG = 100000, 256, 300000, 10000

def setup_inputs(seed: int = 0) -> dict:
    key = jax.random.key(seed)
    k1, k2, k3, k4 = jax.random.split(key, 4)
    ast_nodes_encodings = jax.random.normal(k1, (N_AST, D), dtype=jnp.float32)
    ast_node_idx_to_pdg_node_idx_mapping_key = jax.random.randint(k2, (E,), 0, N_AST)
    ast_node_idx_to_pdg_node_idx_mapping_value = jnp.sort(jax.random.randint(k3, (E,), 0, N_CFG))
    pdg_node_idx_to_sub_ast_root_idx_mapping_key = jnp.arange(N_CFG)
    pdg_node_idx_to_sub_ast_root_idx_mapping_value = jax.random.randint(k4, (N_CFG,), 0, N_AST)
    return {
        "ast_nodes_encodings": ast_nodes_encodings,
        "ast_node_idx_to_pdg_node_idx_mapping_key": ast_node_idx_to_pdg_node_idx_mapping_key,
        "ast_node_idx_to_pdg_node_idx_mapping_value": ast_node_idx_to_pdg_node_idx_mapping_value,
        "pdg_node_idx_to_sub_ast_root_idx_mapping_key": pdg_node_idx_to_sub_ast_root_idx_mapping_key,
        "pdg_node_idx_to_sub_ast_root_idx_mapping_value": pdg_node_idx_to_sub_ast_root_idx_mapping_value,
        "nr_cfg_nodes": N_CFG,
    }

def reference(ast_nodes_encodings, ast_node_idx_to_pdg_node_idx_mapping_key, ast_node_idx_to_pdg_node_idx_mapping_value, pdg_node_idx_to_sub_ast_root_idx_mapping_key, pdg_node_idx_to_sub_ast_root_idx_mapping_value, nr_cfg_nodes):
    d = ast_nodes_encodings.shape[1]
    nr_cfg_nodes_static = pdg_node_idx_to_sub_ast_root_idx_mapping_key.shape[0]
    scatter_idx = jnp.minimum(pdg_node_idx_to_sub_ast_root_idx_mapping_key, nr_cfg_nodes - 1)
    # attn_queries: gather sub-AST root encodings then scatter-overwrite into CFG-node slots
    attn_queries = jnp.take(ast_nodes_encodings, pdg_node_idx_to_sub_ast_root_idx_mapping_value, axis=0)
    attn_queries = jnp.zeros((nr_cfg_nodes_static, d), dtype=ast_nodes_encodings.dtype).at[scatter_idx].set(attn_queries)
    # ScatterCombiner with combining_method='sum': segment-sum of gathered AST node encodings
    # into their owning CFG node (attn_queries argument is unused by the 'sum' combiner).
    scattered_input = jnp.take(ast_nodes_encodings, ast_node_idx_to_pdg_node_idx_mapping_key, axis=0)
    segment_ids = jnp.minimum(ast_node_idx_to_pdg_node_idx_mapping_value, nr_cfg_nodes - 1)
    combined_sub_asts = jax.ops.segment_sum(scattered_input, segment_ids, num_segments=nr_cfg_nodes_static)
    return combined_sub_asts

if __name__ == "__main__":
    import jax
    _d = setup_inputs()
    print(jax.jit(kernel)(*tuple(_d.values())))

</pallas_src>

<mosaic_0001>
#map = affine_map<(d0, d1) -> (0, 0, 0)>
#map1 = affine_map<(d0, d1) -> (0)>
module attributes {stable_mosaic.version = 14 : i64} {
  func.func @body(%arg0: i32, %arg1: i32, %arg2: memref<100000x2x128xf32, #tpu.memory_space<hbm>>, %arg3: memref<300000xi32, #tpu.memory_space<hbm>>, %arg4: memref<300000xi32, #tpu.memory_space<hbm>>, %arg5: memref<32xi32, #tpu.memory_space<hbm>>, %arg6: memref<320x2x128xf32, #tpu.memory_space<hbm>>, %arg7: memref<10000x2x128xf32, #tpu.memory_space<hbm>>, %arg8: memref<32xi32, #tpu.memory_space<vmem>>, %arg9: memref<96xi32, #tpu.memory_space<vmem>>, %arg10: memref<96xi32, #tpu.memory_space<vmem>>, %arg11: memref<96xi32, #tpu.memory_space<vmem>>, %arg12: memref<96xi32, #tpu.memory_space<vmem>>, %arg13: memref<96xi32, #tpu.memory_space<vmem>>, %arg14: memref<96x2x128xf32, #tpu.memory_space<vmem>>, %arg15: memref<96x2x128xf32, #tpu.memory_space<vmem>>, %arg16: memref<5008x2x128xf32, #tpu.memory_space<vmem_shared>>, %arg17: memref<!tpu.dma_semaphore, #tpu.memory_space<semaphore_mem>>, %arg18: memref<!tpu.dma_semaphore, #tpu.memory_space<semaphore_mem>>, %arg19: memref<!tpu.dma_semaphore, #tpu.memory_space<semaphore_mem>>) attributes {dimension_semantics = [#tpu.dimension_semantics<core_parallel>, #tpu.dimension_semantics<subcore_parallel>], iteration_bounds = array<i64: 2, 16>, scalar_prefetch = 0 : i64, scratch_operands = 12 : i64, tpu.core_type = #tpu.core_type<sc_vector_subcore>, window_params = [{transform_indices = #map}, {transform_indices = #map1}, {transform_indices = #map1}, {transform_indices = #map1}, {transform_indices = #map}, {transform_indices = #map}]} {
    "tpu.region"() ({
      %run_scoped3A = tpu.sem_alloc : memref<!tpu.dma_semaphore, #tpu.memory_space<semaphore_mem>>
      tpu.enqueue_dma source(%arg5 : memref<32xi32, #tpu.memory_space<hbm>>) target(%arg8 : memref<32xi32, #tpu.memory_space<vmem>>) target_semaphore(%run_scoped3A : memref<!tpu.dma_semaphore, #tpu.memory_space<semaphore_mem>>)
      tpu.wait_dma2 semaphore(%run_scoped3A : memref<!tpu.dma_semaphore, #tpu.memory_space<semaphore_mem>>) src(%arg5 : memref<32xi32, #tpu.memory_space<hbm>>) dst(%arg8 : memref<32xi32, #tpu.memory_space<vmem>>)
      tpu.yield
    }) : () -> ()
    %lt3A = arith.constant 15 : i32
    %lt3A_0 = arith.cmpi slt, %arg1, %lt3A : i32
    %convert_element_type3A = arith.extui %lt3A_0 : i1 to i32
    %cond3A = arith.constant 0 : i32
    %cond3A_1 = arith.cmpi ne, %convert_element_type3A, %cond3A : i32
    scf.if %cond3A_1 {
      %mul3A_82 = arith.constant 320 : i32
      %mul3A_83 = arith.muli %arg1, %mul3A_82 : i32
      "tpu.region"() ({
        %run_scoped3A = tpu.sem_alloc : memref<!tpu.dma_semaphore, #tpu.memory_space<semaphore_mem>>
        %dma_start3A = arith.constant 0 : i32
        %dma_start3A_84 = arith.constant 0 : i32
        %dma_start3A_85 = tpu.memref_slice %arg16[%mul3A_83, %dma_start3A, %dma_start3A_84] : memref<5008x2x128xf32, #tpu.memory_space<vmem_shared>> -> memref<320x2x128xf32, #tpu.memory_space<vmem_shared>>
        %dma_start3A_86 = arith.constant 0 : i32
        %dma_start3A_87 = arith.constant 0 : i32
        %dma_start3A_88 = arith.constant 0 : i32
        %dma_start3A_89 = tpu.memref_slice %arg6[%dma_start3A_86, %dma_start3A_87, %dma_start3A_88] : memref<320x2x128xf32, #tpu.memory_space<hbm>> -> memref<320x2x128xf32, #tpu.memory_space<hbm>>
        tpu.enqueue_dma source(%dma_start3A_89 : memref<320x2x128xf32, #tpu.memory_space<hbm>>) target(%dma_start3A_85 : memref<320x2x128xf32, #tpu.memory_space<vmem_shared>>) target_semaphore(%run_scoped3A : memref<!tpu.dma_semaphore, #tpu.memory_space<semaphore_mem>>)
        %dma_wait3A = arith.constant 0 : i32
        %dma_wait3A_90 = arith.constant 0 : i32
        %dma_wait3A_91 = tpu.memref_slice %arg16[%mul3A_83, %dma_wait3A, %dma_wait3A_90] : memref<5008x2x128xf32, #tpu.memory_space<vmem_shared>> -> memref<320x2x128xf32, #tpu.memory_space<vmem_shared>>
        %dma_wait3A_92 = arith.constant 0 : i32
        %dma_wait3A_93 = arith.constant 0 : i32
        %dma_wait3A_94 = arith.constant 0 : i32
        %dma_wait3A_95 = tpu.memref_slice %arg6[%dma_wait3A_92, %dma_wait3A_93, %dma_wait3A_94] : memref<320x2x128xf32, #tpu.memory_space<hbm>> -> memref<320x2x128xf32, #tpu.memory_space<hbm>>
        tpu.wait_dma2 semaphore(%run_scoped3A : memref<!tpu.dma_semaphore, #tpu.memory_space<semaphore_mem>>) src(%dma_wait3A_95 : memref<320x2x128xf32, #tpu.memory_space<hbm>>) dst(%dma_wait3A_91 : memref<320x2x128xf32, #tpu.memory_space<vmem_shared>>)
        tpu.yield
      }) : () -> ()
    } else {
    }
    %eq3A = arith.constant 15 : i32
    %eq3A_2 = arith.cmpi eq, %arg1, %eq3A : i32
    %convert_element_type3A_3 = arith.extui %eq3A_2 : i1 to i32
    %cond3A_4 = arith.constant 0 : i32
    %cond3A_5 = arith.cmpi ne, %convert_element_type3A_3, %cond3A_4 : i32
    scf.if %cond3A_5 {
      "tpu.region"() ({
        %run_scoped3A = tpu.sem_alloc : memref<!tpu.dma_semaphore, #tpu.memory_space<semaphore_mem>>
        %dma_start3A = arith.constant 4800 : i32
        %dma_start3A_82 = arith.constant 0 : i32
        %dma_start3A_83 = arith.constant 0 : i32
        %dma_start3A_84 = tpu.memref_slice %arg16[%dma_start3A, %dma_start3A_82, %dma_start3A_83] : memref<5008x2x128xf32, #tpu.memory_space<vmem_shared>> -> memref<208x2x128xf32, #tpu.memory_space<vmem_shared>>
        %dma_start3A_85 = arith.constant 0 : i32
        %dma_start3A_86 = arith.constant 0 : i32
        %dma_start3A_87 = arith.constant 0 : i32
        %dma_start3A_88 = tpu.memref_slice %arg6[%dma_start3A_85, %dma_start3A_86, %dma_start3A_87] : memref<320x2x128xf32, #tpu.memory_space<hbm>> -> memref<208x2x128xf32, #tpu.memory_space<hbm>>
        tpu.enqueue_dma source(%dma_start3A_88 : memref<208x2x128xf32, #tpu.memory_space<hbm>>) target(%dma_start3A_84 : memref<208x2x128xf32, #tpu.memory_space<vmem_shared>>) target_semaphore(%run_scoped3A : memref<!tpu.dma_semaphore, #tpu.memory_space<semaphore_mem>>)
        %dma_wait3A = arith.constant 4800 : i32
        %dma_wait3A_89 = arith.constant 0 : i32
        %dma_wait3A_90 = arith.constant 0 : i32
        %dma_wait3A_91 = tpu.memref_slice %arg16[%dma_wait3A, %dma_wait3A_89, %dma_wait3A_90] : memref<5008x2x128xf32, #tpu.memory_space<vmem_shared>> -> memref<208x2x128xf32, #tpu.memory_space<vmem_shared>>
        %dma_wait3A_92 = arith.constant 0 : i32
        %dma_wait3A_93 = arith.constant 0 : i32
        %dma_wait3A_94 = arith.constant 0 : i32
        %dma_wait3A_95 = tpu.memref_slice %arg6[%dma_wait3A_92, %dma_wait3A_93, %dma_wait3A_94] : memref<320x2x128xf32, #tpu.memory_space<hbm>> -> memref<208x2x128xf32, #tpu.memory_space<hbm>>
        tpu.wait_dma2 semaphore(%run_scoped3A : memref<!tpu.dma_semaphore, #tpu.memory_space<semaphore_mem>>) src(%dma_wait3A_95 : memref<208x2x128xf32, #tpu.memory_space<hbm>>) dst(%dma_wait3A_91 : memref<208x2x128xf32, #tpu.memory_space<vmem_shared>>)
        tpu.yield
      }) : () -> ()
    } else {
    }
    %mul3A = arith.constant 8 : i32
    %mul3A_6 = arith.muli %arg0, %mul3A : i32
    %multiple_of3A = tpu.assume_multiple %mul3A_6, 8 : i32
    %get3A = arith.index_cast %multiple_of3A : i32 to index
    %get3A_7 = tpu.vector_load %arg8[%get3A] {strides = array<i32>} : memref<32xi32, #tpu.memory_space<vmem>>, vector<16xi32>,
    %get3A_8 = vector.shape_cast %get3A_7 : vector<16xi32> to vector<16xi32>
    %slice3A = vector.extract_strided_slice %get3A_8 {offsets = [0], sizes = [1], strides = [1]} : vector<16xi32> to vector<1xi32>
    %squeeze3A = vector.extract %slice3A[0] : i32 from vector<1xi32>
    %slice3A_9 = vector.extract_strided_slice %get3A_8 {offsets = [1], sizes = [1], strides = [1]} : vector<16xi32> to vector<1xi32>
    %squeeze3A_10 = vector.extract %slice3A_9[0] : i32 from vector<1xi32>
    %mul3A_11 = arith.constant 5000 : i32
    %mul3A_12 = arith.muli %arg0, %mul3A_11 : i32
    %sub3A = arith.subi %squeeze3A, %arg1 : i32
    %add3A = arith.constant 15 : i32
    %add3A_13 = arith.addi %sub3A, %add3A : i32
    %jit3A = arith.constant 16 : i32
    %div3A = arith.divsi %add3A_13, %jit3A : i32
    %sign3A = arith.constant 0 : i32
    %sign3A_14 = arith.cmpi sgt, %add3A_13, %sign3A : i32
    %sign3A_15 = arith.extui %sign3A_14 : i1 to i32
    %sign3A_16 = arith.constant 0 : i32
    %sign3A_17 = arith.cmpi slt, %add3A_13, %sign3A_16 : i32
    %sign3A_18 = arith.extui %sign3A_17 : i1 to i32
    %sign3A_19 = arith.subi %sign3A_15, %sign3A_18 : i32
    %sign3A_20 = arith.constant 0 : i32
    %sign3A_21 = arith.cmpi sgt, %jit3A, %sign3A_20 : i32
    %sign3A_22 = arith.extui %sign3A_21 : i1 to i32
    %sign3A_23 = arith.constant 0 : i32
    %sign3A_24 = arith.cmpi slt, %jit3A, %sign3A_23 : i32
    %sign3A_25 = arith.extui %sign3A_24 : i1 to i32
    %sign3A_26 = arith.subi %sign3A_22, %sign3A_25 : i32
    %ne3A = arith.cmpi ne, %sign3A_19, %sign3A_26 : i32
    %rem3A = arith.remsi %add3A_13, %jit3A : i32
    %ne3A_27 = arith.constant 0 : i32
    %ne3A_28 = arith.cmpi ne, %rem3A, %ne3A_27 : i32
    %and3A = arith.andi %ne3A, %ne3A_28 : i1
    %sub3A_29 = arith.constant 1 : i32
    %sub3A_30 = arith.subi %div3A, %sub3A_29 : i32
    %select_n3A = arith.select %and3A, %sub3A_30, %div3A : i32
    %max3A = arith.constant 0 : i32
    %max3A_31 = arith.maxsi %max3A, %select_n3A : i32
    %barrier3A = arith.constant 0 : index
    tpu.barrier barrier_id(%barrier3A)
    %gt3A = arith.constant 0 : i32
    %gt3A_32 = arith.cmpi sgt, %max3A_31, %gt3A : i32
    %convert_element_type3A_33 = arith.extui %gt3A_32 : i1 to i32
    %cond3A_34 = arith.constant 0 : i32
    %cond3A_35 = arith.cmpi ne, %convert_element_type3A_33, %cond3A_34 : i32
    scf.if %cond3A_35 {
      %multiple_of3A_82 = tpu.assume_multiple %squeeze3A_10, 8 : i32
      %add3A_83 = arith.constant 0 : i32
      %add3A_84 = arith.addi %add3A_83, %arg1 : i32
      %mul3A_85 = arith.constant 96 : i32
      %mul3A_86 = arith.muli %add3A_84, %mul3A_85 : i32
      %add3A_87 = arith.addi %multiple_of3A_82, %mul3A_86 : i32
      %dma_start3A = tpu.memref_slice %arg3[%add3A_87] : memref<300000xi32, #tpu.memory_space<hbm>> -> memref<96xi32, #tpu.memory_space<hbm>>
      %dma_start3A_88 = tpu.memref_slice %arg3[%add3A_87] : memref<300000xi32, #tpu.memory_space<hbm>> -> memref<96xi32, #tpu.memory_space<hbm>>
      tpu.enqueue_dma source(%dma_start3A_88 : memref<96xi32, #tpu.memory_space<hbm>>) target(%arg9 : memref<96xi32, #tpu.memory_space<vmem>>) target_semaphore(%arg19 : memref<!tpu.dma_semaphore, #tpu.memory_space<semaphore_mem>>)
      %dma_start3A_89 = tpu.memref_slice %arg4[%add3A_87] : memref<300000xi32, #tpu.memory_space<hbm>> -> memref<96xi32, #tpu.memory_space<hbm>>
      %dma_start3A_90 = tpu.memref_slice %arg4[%add3A_87] : memref<300000xi32, #tpu.memory_space<hbm>> -> memref<96xi32, #tpu.memory_space<hbm>>
      tpu.enqueue_dma source(%dma_start3A_90 : memref<96xi32, #tpu.memory_space<hbm>>) target(%arg11 : memref<96xi32, #tpu.memory_space<vmem>>) target_semaphore(%arg19 : memref<!tpu.dma_semaphore, #tpu.memory_space<semaphore_mem>>)
      %dma_wait3A = tpu.memref_slice %arg3[%add3A_87] : memref<300000xi32, #tpu.memory_space<hbm>> -> memref<96xi32, #tpu.memory_space<hbm>>
      %dma_wait3A_91 = tpu.memref_slice %arg3[%add3A_87] : memref<300000xi32, #tpu.memory_space<hbm>> -> memref<96xi32, #tpu.memory_space<hbm>>
      tpu.wait_dma2 semaphore(%arg19 : memref<!tpu.dma_semaphore, #tpu.memory_space<semaphore_mem>>) src(%dma_wait3A_91 : memref<96xi32, #tpu.memory_space<hbm>>) dst(%arg9 : memref<96xi32, #tpu.memory_space<vmem>>)
      %dma_wait3A_92 = tpu.memref_slice %arg4[%add3A_87] : memref<300000xi32, #tpu.memory_space<hbm>> -> memref<96xi32, #tpu.memory_space<hbm>>
      %dma_wait3A_93 = tpu.memref_slice %arg4[%add3A_87] : memref<300000xi32, #tpu.memory_space<hbm>> -> memref<96xi32, #tpu.memory_space<hbm>>
      tpu.wait_dma2 semaphore(%arg19 : memref<!tpu.dma_semaphore, #tpu.memory_space<semaphore_mem>>) src(%dma_wait3A_93 : memref<96xi32, #tpu.memory_space<hbm>>) dst(%arg11 : memref<96xi32, #tpu.memory_space<vmem>>)
      %get3A_94 = arith.constant 0 : index
      %get3A_95 = tpu.vector_load %arg11[%get3A_94] {strides = array<i32>} : memref<96xi32, #tpu.memory_space<vmem>>, vector<16xi32>,
      %get3A_96 = vector.shape_cast %get3A_95 : vector<16xi32> to vector<16xi32>
      %sub3A_97 = vector.broadcast %mul3A_12 : i32 to vector<16xi32>
      %sub3A_98 = arith.subi %get3A_96, %sub3A_97 : vector<16xi32>
      %ge3A = arith.constant 0 : i32
      %ge3A_99 = vector.broadcast %ge3A : i32 to vector<16xi32>
      %ge3A_100 = arith.cmpi sge, %sub3A_98, %ge3A_99 : vector<16xi32>
      %lt3A_101 = arith.constant 5000 : i32
      %lt3A_102 = vector.broadcast %lt3A_101 : i32 to vector<16xi32>
      %lt3A_103 = arith.cmpi slt, %sub3A_98, %lt3A_102 : vector<16xi32>
      %and3A_104 = arith.andi %ge3A_100, %lt3A_103 : vector<16xi1>
      %jit3A_105 = arith.constant 5000 : i32
      %broadcast_in_dim3A = vector.broadcast %jit3A_105 : i32 to vector<16xi32>
      %select_n3A_106 = arith.select %and3A_104, %sub3A_98, %broadcast_in_dim3A : vector<16xi1>, vector<16xi32>
      %swap3A = arith.constant 0 : index
      %swap3A_107 = tpu.vector_load %arg12[%swap3A] {strides = array<i32>} : memref<96xi32, #tpu.memory_space<vmem>>, vector<16xi32>,
      %swap3A_108 = vector.shape_cast %swap3A_107 : vector<16xi32> to vector<16xi32>
      %swap3A_109 = vector.shape_cast %select_n3A_106 : vector<16xi32> to vector<16xi32>
      tpu.vector_store %arg12[%swap3A], %swap3A_109 {strides = array<i32>} : memref<96xi32, #tpu.memory_space<vmem>>, vector<16xi32>,
      %get3A_110 = arith.constant 16 : index
      %get3A_111 = tpu.vector_load %arg11[%get3A_110] {strides = array<i32>} : memref<96xi32, #tpu.memory_space<vmem>>, vector<16xi32>,
      %get3A_112 = vector.shape_cast %get3A_111 : vector<16xi32> to vector<16xi32>
      %sub3A_113 = vector.broadcast %mul3A_12 : i32 to vector<16xi32>
      %sub3A_114 = arith.subi %get3A_112, %sub3A_113 : vector<16xi32>
      %ge3A_115 = arith.constant 0 : i32
      %ge3A_116 = vector.broadcast %ge3A_115 : i32 to vector<16xi32>
      %ge3A_117 = arith.cmpi sge, %sub3A_114, %ge3A_116 : vector<16xi32>
      %lt3A_118 = arith.constant 5000 : i32
      %lt3A_119 = vector.broadcast %lt3A_118 : i32 to vector<16xi32>
      %lt3A_120 = arith.cmpi slt, %sub3A_114, %lt3A_119 : vector<16xi32>
      %and3A_121 = arith.andi %ge3A_117, %lt3A_120 : vector<16xi1>
      %jit3A_122 = arith.constant 5000 : i32
      %broadcast_in_dim3A_123 = vector.broadcast %jit3A_122 : i32 to vector<16xi32>
      %select_n3A_124 = arith.select %and3A_121, %sub3A_114, %broadcast_in_dim3A_123 : vector<16xi1>, vector<16xi32>
      %swap3A_125 = arith.constant 16 : index
      %swap3A_126 = tpu.vector_load %arg12[%swap3A_125] {strides = array<i32>} : memref<96xi32, #tpu.memory_space<vmem>>, vector<16xi32>,
      %swap3A_127 = vector.shape_cast %swap3A_126 : vector<16xi32> to vector<16xi32>
      %swap3A_128 = vector.shape_cast %select_n3A_124 : vector<16xi32> to vector<16xi32>
      tpu.vector_store %arg12[%swap3A_125], %swap3A_128 {strides = array<i32>} : memref<96xi32, #tpu.memory_space<vmem>>, vector<16xi32>,
      %get3A_129 = arith.constant 32 : index
      %get3A_130 = tpu.vector_load %arg11[%get3A_129] {strides = array<i32>} : memref<96xi32, #tpu.memory_space<vmem>>, vector<16xi32>,
      %get3A_131 = vector.shape_cast %get3A_130 : vector<16xi32> to vector<16xi32>
      %sub3A_132 = vector.broadcast %mul3A_12 : i32 to vector<16xi32>
      %sub3A_133 = arith.subi %get3A_131, %sub3A_132 : vector<16xi32>
      %ge3A_134 = arith.constant 0 : i32
      %ge3A_135 = vector.broadcast %ge3A_134 : i32 to vector<16xi32>
      %ge3A_136 = arith.cmpi sge, %sub3A_133, %ge3A_135 : vector<16xi32>
      %lt3A_137 = arith.constant 5000 : i32
      %lt3A_138 = vector.broadcast %lt3A_137 : i32 to vector<16xi32>
      %lt3A_139 = arith.cmpi slt, %sub3A_133, %lt3A_138 : vector<16xi32>
      %and3A_140 = arith.andi %ge3A_136, %lt3A_139 : vector<16xi1>
      %jit3A_141 = arith.constant 5000 : i32
      %broadcast_in_dim3A_142 = vector.broadcast %jit3A_141 : i32 to vector<16xi32>
      %select_n3A_143 = arith.select %and3A_140, %sub3A_133, %broadcast_in_dim3A_142 : vector<16xi1>, vector<16xi32>
      %swap3A_144 = arith.constant 32 : index
      %swap3A_145 = tpu.vector_load %arg12[%swap3A_144] {strides = array<i32>} : memref<96xi32, #tpu.memory_space<vmem>>, vector<16xi32>,
      %swap3A_146 = vector.shape_cast %swap3A_145 : vector<16xi32> to vector<16xi32>
      %swap3A_147 = vector.shape_cast %select_n3A_143 : vector<16xi32> to vector<16xi32>
      tpu.vector_store %arg12[%swap3A_144], %swap3A_147 {strides = array<i32>} : memref<96xi32, #tpu.memory_space<vmem>>, vector<16xi32>,
      %get3A_148 = arith.constant 48 : index
      %get3A_149 = tpu.vector_load %arg11[%get3A_148] {strides = array<i32>} : memref<96xi32, #tpu.memory_space<vmem>>, vector<16xi32>,
      %get3A_150 = vector.shape_cast %get3A_149 : vector<16xi32> to vector<16xi32>
      %sub3A_151 = vector.broadcast %mul3A_12 : i32 to vector<16xi32>
      %sub3A_152 = arith.subi %get3A_150, %sub3A_151 : vector<16xi32>
      %ge3A_153 = arith.constant 0 : i32
      %ge3A_154 = vector.broadcast %ge3A_153 : i32 to vector<16xi32>
      %ge3A_155 = arith.cmpi sge, %sub3A_152, %ge3A_154 : vector<16xi32>
      %lt3A_156 = arith.constant 5000 : i32
      %lt3A_157 = vector.broadcast %lt3A_156 : i32 to vector<16xi32>
      %lt3A_158 = arith.cmpi slt, %sub3A_152, %lt3A_157 : vector<16xi32>
      %and3A_159 = arith.andi %ge3A_155, %lt3A_158 : vector<16xi1>
      %jit3A_160 = arith.constant 5000 : i32
      %broadcast_in_dim3A_161 = vector.broadcast %jit3A_160 : i32 to vector<16xi32>
      %select_n3A_162 = arith.select %and3A_159, %sub3A_152, %broadcast_in_dim3A_161 : vector<16xi1>, vector<16xi32>
      %swap3A_163 = arith.constant 48 : index
      %swap3A_164 = tpu.vector_load %arg12[%swap3A_163] {strides = array<i32>} : memref<96xi32, #tpu.memory_space<vmem>>, vector<16xi32>,
      %swap3A_165 = vector.shape_cast %swap3A_164 : vector<16xi32> to vector<16xi32>
      %swap3A_166 = vector.shape_cast %select_n3A_162 : vector<16xi32> to vector<16xi32>
      tpu.vector_store %arg12[%swap3A_163], %swap3A_166 {strides = array<i32>} : memref<96xi32, #tpu.memory_space<vmem>>, vector<16xi32>,
      %get3A_167 = arith.constant 64 : index
      %get3A_168 = tpu.vector_load %arg11[%get3A_167] {strides = array<i32>} : memref<96xi32, #tpu.memory_space<vmem>>, vector<16xi32>,
      %get3A_169 = vector.shape_cast %get3A_168 : vector<16xi32> to vector<16xi32>
      %sub3A_170 = vector.broadcast %mul3A_12 : i32 to vector<16xi32>
      %sub3A_171 = arith.subi %get3A_169, %sub3A_170 : vector<16xi32>
      %ge3A_172 = arith.constant 0 : i32
      %ge3A_173 = vector.broadcast %ge3A_172 : i32 to vector<16xi32>
      %ge3A_174 = arith.cmpi sge, %sub3A_171, %ge3A_173 : vector<16xi32>
      %lt3A_175 = arith.constant 5000 : i32
      %lt3A_176 = vector.broadcast %lt3A_175 : i32 to vector<16xi32>
      %lt3A_177 = arith.cmpi slt, %sub3A_171, %lt3A_176 : vector<16xi32>
      %and3A_178 = arith.andi %ge3A_174, %lt3A_177 : vector<16xi1>
      %jit3A_179 = arith.constant 5000 : i32
      %broadcast_in_dim3A_180 = vector.broadcast %jit3A_179 : i32 to vector<16xi32>
      %select_n3A_181 = arith.select %and3A_178, %sub3A_171, %broadcast_in_dim3A_180 : vector<16xi1>, vector<16xi32>
      %swap3A_182 = arith.constant 64 : index
      %swap3A_183 = tpu.vector_load %arg12[%swap3A_182] {strides = array<i32>} : memref<96xi32, #tpu.memory_space<vmem>>, vector<16xi32>,
      %swap3A_184 = vector.shape_cast %swap3A_183 : vector<16xi32> to vector<16xi32>
      %swap3A_185 = vector.shape_cast %select_n3A_181 : vector<16xi32> to vector<16xi32>
      tpu.vector_store %arg12[%swap3A_182], %swap3A_185 {strides = array<i32>} : memref<96xi32, #tpu.memory_space<vmem>>, vector<16xi32>,
      %get3A_186 = arith.constant 80 : index
      %get3A_187 = tpu.vector_load %arg11[%get3A_186] {strides = array<i32>} : memref<96xi32, #tpu.memory_space<vmem>>, vector<16xi32>,
      %get3A_188 = vector.shape_cast %get3A_187 : vector<16xi32> to vector<16xi32>
      %sub3A_189 = vector.broadcast %mul3A_12 : i32 to vector<16xi32>
      %sub3A_190 = arith.subi %get3A_188, %sub3A_189 : vector<16xi32>
      %ge3A_191 = arith.constant 0 : i32
      %ge3A_192 = vector.broadcast %ge3A_191 : i32 to vector<16xi32>
      %ge3A_193 = arith.cmpi sge, %sub3A_190, %ge3A_192 : vector<16xi32>
      %lt3A_194 = arith.constant 5000 : i32
      %lt3A_195 = vector.broadcast %lt3A_194 : i32 to vector<16xi32>
      %lt3A_196 = arith.cmpi slt, %sub3A_190, %lt3A_195 : vector<16xi32>
      %and3A_197 = arith.andi %ge3A_193, %lt3A_196 : vector<16xi1>
      %jit3A_198 = arith.constant 5000 : i32
      %broadcast_in_dim3A_199 = vector.broadcast %jit3A_198 : i32 to vector<16xi32>
      %select_n3A_200 = arith.select %and3A_197, %sub3A_190, %broadcast_in_dim3A_199 : vector<16xi1>, vector<16xi32>
      %swap3A_201 = arith.constant 80 : index
      %swap3A_202 = tpu.vector_load %arg12[%swap3A_201] {strides = array<i32>} : memref<96xi32, #tpu.memory_space<vmem>>, vector<16xi32>,
      %swap3A_203 = vector.shape_cast %swap3A_202 : vector<16xi32> to vector<16xi32>
      %swap3A_204 = vector.shape_cast %select_n3A_200 : vector<16xi32> to vector<16xi32>
      tpu.vector_store %arg12[%swap3A_201], %swap3A_204 {strides = array<i32>} : memref<96xi32, #tpu.memory_space<vmem>>, vector<16xi32>,
      %dma_start3A_205 = arith.constant 0 : i32
      %dma_start3A_206 = arith.constant 0 : i32
      %dma_start3A_207 = arith.constant 0 : i32
      %dma_start3A_208 = tpu.memref_slice %arg2[%dma_start3A_205, %dma_start3A_206, %dma_start3A_207] : memref<100000x2x128xf32, #tpu.memory_space<hbm>> -> memref<100000x2x128xf32, #tpu.memory_space<hbm>>
      tpu.enqueue_indirect_dma source(%dma_start3A_208 : memref<100000x2x128xf32, #tpu.memory_space<hbm>>) target(%arg14 : memref<96x2x128xf32, #tpu.memory_space<vmem>>) offsets(%arg9 : memref<96xi32, #tpu.memory_space<vmem>>) semaphore(%arg17 : memref<!tpu.dma_semaphore, #tpu.memory_space<semaphore_mem>>)
    } else {
    }
    %add3A_36 = arith.constant 1 : i32
    %add3A_37 = arith.addi %max3A_31, %add3A_36 : i32
    %jit3A_38 = arith.constant 2 : i32
    %div3A_39 = arith.divsi %add3A_37, %jit3A_38 : i32
    %sign3A_40 = arith.constant 0 : i32
    %sign3A_41 = arith.cmpi sgt, %add3A_37, %sign3A_40 : i32
    %sign3A_42 = arith.extui %sign3A_41 : i1 to i32
    %sign3A_43 = arith.constant 0 : i32
    %sign3A_44 = arith.cmpi slt, %add3A_37, %sign3A_43 : i32
    %sign3A_45 = arith.extui %sign3A_44 : i1 to i32
    %sign3A_46 = arith.subi %sign3A_42, %sign3A_45 : i32
    %sign3A_47 = arith.constant 0 : i32
    %sign3A_48 = arith.cmpi sgt, %jit3A_38, %sign3A_47 : i32
    %sign3A_49 = arith.extui %sign3A_48 : i1 to i32
    %sign3A_50 = arith.constant 0 : i32
    %sign3A_51 = arith.cmpi slt, %jit3A_38, %sign3A_50 : i32
    %sign3A_52 = arith.extui %sign3A_51 : i1 to i32
    %sign3A_53 = arith.subi %sign3A_49, %sign3A_52 : i32
    %ne3A_54 = arith.cmpi ne, %sign3A_46, %sign3A_53 : i32
    %rem3A_55 = arith.remsi %add3A_37, %jit3A_38 : i32
    %ne3A_56 = arith.constant 0 : i32
    %ne3A_57 = arith.cmpi ne, %rem3A_55, %ne3A_56 : i32
    %and3A_58 = arith.andi %ne3A_54, %ne3A_57 : i1
    %sub3A_59 = arith.constant 1 : i32
    %sub3A_60 = arith.subi %div3A_39, %sub3A_59 : i32
    %select_n3A_61 = arith.select %and3A_58, %sub3A_60, %div3A_39 : i32
    %while3A = arith.constant 0 : i32
    %while3A_62 = arith.constant 0 : i32
    %while3A_63 = arith.subi %select_n3A_61, %while3A_62 : i32
    %while3A_64 = arith.addi %while3A_62, %while3A_63 : i32
    %while3A_65 = arith.constant 1 : i32
    %while3A_66 = arith.divsi %while3A_63, %while3A_65 : i32
    %while3A_67 = arith.muli %while3A_66, %while3A_65 : i32
    %while3A_68 = arith.addi %while3A_62, %while3A_67 : i32
    %while3A_69 = arith.constant 1 : i32
    scf.for %while3A_82 = %while3A_62 to %while3A_68 step %while3A_69  : i32 {
      %mul3A_83 = arith.constant 2 : i32
      %mul3A_84 = arith.muli %mul3A_83, %while3A_82 : i32
      %mul3A_85 = arith.constant 2 : i32
      %mul3A_86 = arith.muli %mul3A_85, %while3A_82 : i32
      %add3A_87 = arith.constant 1 : i32
      %add3A_88 = arith.addi %mul3A_86, %add3A_87 : i32
      %lt3A_89 = arith.cmpi slt, %add3A_88, %max3A_31 : i32
      %convert_element_type3A_90 = arith.extui %lt3A_89 : i1 to i32
      %cond3A_91 = arith.constant 0 : i32
      %cond3A_92 = arith.cmpi ne, %convert_element_type3A_90, %cond3A_91 : i32
      scf.if %cond3A_92 {
        %multiple_of3A_106 = tpu.assume_multiple %squeeze3A_10, 8 : i32
        %mul3A_107 = arith.constant 16 : i32
        %mul3A_108 = arith.muli %add3A_88, %mul3A_107 : i32
        %add3A_109 = arith.addi %mul3A_108, %arg1 : i32
        %mul3A_110 = arith.constant 96 : i32
        %mul3A_111 = arith.muli %add3A_109, %mul3A_110 : i32
        %add3A_112 = arith.addi %multiple_of3A_106, %mul3A_111 : i32
        %dma_start3A = tpu.memref_slice %arg3[%add3A_112] : memref<300000xi32, #tpu.memory_space<hbm>> -> memref<96xi32, #tpu.memory_space<hbm>>
        %dma_start3A_113 = tpu.memref_slice %arg3[%add3A_112] : memref<300000xi32, #tpu.memory_space<hbm>> -> memref<96xi32, #tpu.memory_space<hbm>>
        tpu.enqueue_dma source(%dma_start3A_113 : memref<96xi32, #tpu.memory_space<hbm>>) target(%arg10 : memref<96xi32, #tpu.memory_space<vmem>>) target_semaphore(%arg19 : memref<!tpu.dma_semaphore, #tpu.memory_space<semaphore_mem>>)
        %dma_start3A_114 = tpu.memref_slice %arg4[%add3A_112] : memref<300000xi32, #tpu.memory_space<hbm>> -> memref<96xi32, #tpu.memory_space<hbm>>
        %dma_start3A_115 = tpu.memref_slice %arg4[%add3A_112] : memref<300000xi32, #tpu.memory_space<hbm>> -> memref<96xi32, #tpu.memory_space<hbm>>
        tpu.enqueue_dma source(%dma_start3A_115 : memref<96xi32, #tpu.memory_space<hbm>>) target(%arg11 : memref<96xi32, #tpu.memory_space<vmem>>) target_semaphore(%arg19 : memref<!tpu.dma_semaphore, #tpu.memory_space<semaphore_mem>>)
        %dma_wait3A_116 = tpu.memref_slice %arg3[%add3A_112] : memref<300000xi32, #tpu.memory_space<hbm>> -> memref<96xi32, #tpu.memory_space<hbm>>
        %dma_wait3A_117 = tpu.memref_slice %arg3[%add3A_112] : memref<300000xi32, #tpu.memory_space<hbm>> -> memref<96xi32, #tpu.memory_space<hbm>>
        tpu.wait_dma2 semaphore(%arg19 : memref<!tpu.dma_semaphore, #tpu.memory_space<semaphore_mem>>) src(%dma_wait3A_117 : memref<96xi32, #tpu.memory_space<hbm>>) dst(%arg10 : memref<96xi32, #tpu.memory_space<vmem>>)
        %dma_wait3A_118 = tpu.memref_slice %arg4[%add3A_112] : memref<300000xi32, #tpu.memory_space<hbm>> -> memref<96xi32, #tpu.memory_space<hbm>>
        %dma_wait3A_119 = tpu.memref_slice %arg4[%add3A_112] : memref<300000xi32, #tpu.memory_space<hbm>> -> memref<96xi32, #tpu.memory_space<hbm>>
        tpu.wait_dma2 semaphore(%arg19 : memref<!tpu.dma_semaphore, #tpu.memory_space<semaphore_mem>>) src(%dma_wait3A_119 : memref<96xi32, #tpu.memory_space<hbm>>) dst(%arg11 : memref<96xi32, #tpu.memory_space<vmem>>)
        %get3A_120 = arith.constant 0 : index
        %get3A_121 = tpu.vector_load %arg11[%get3A_120] {strides = array<i32>} : memref<96xi32, #tpu.memory_space<vmem>>, vector<16xi32>,
        %get3A_122 = vector.shape_cast %get3A_121 : vector<16xi32> to vector<16xi32>
        %sub3A_123 = vector.broadcast %mul3A_12 : i32 to vector<16xi32>
        %sub3A_124 = arith.subi %get3A_122, %sub3A_123 : vector<16xi32>
        %ge3A = arith.constant 0 : i32
        %ge3A_125 = vector.broadcast %ge3A : i32 to vector<16xi32>
        %ge3A_126 = arith.cmpi sge, %sub3A_124, %ge3A_125 : vector<16xi32>
        %lt3A_127 = arith.constant 5000 : i32
        %lt3A_128 = vector.broadcast %lt3A_127 : i32 to vector<16xi32>
        %lt3A_129 = arith.cmpi slt, %sub3A_124, %lt3A_128 : vector<16xi32>
        %and3A_130 = arith.andi %ge3A_126, %lt3A_129 : vector<16xi1>
        %jit3A_131 = arith.constant 5000 : i32
        %broadcast_in_dim3A = vector.broadcast %jit3A_131 : i32 to vector<16xi32>
        %select_n3A_132 = arith.select %and3A_130, %sub3A_124, %broadcast_in_dim3A : vector<16xi1>, vector<16xi32>
        %swap3A = arith.constant 0 : index
        %swap3A_133 = tpu.vector_load %arg13[%swap3A] {strides = array<i32>} : memref<96xi32, #tpu.memory_space<vmem>>, vector<16xi32>,
        %swap3A_134 = vector.shape_cast %swap3A_133 : vector<16xi32> to vector<16xi32>
        %swap3A_135 = vector.shape_cast %select_n3A_132 : vector<16xi32> to vector<16xi32>
        tpu.vector_store %arg13[%swap3A], %swap3A_135 {strides = array<i32>} : memref<96xi32, #tpu.memory_space<vmem>>, vector<16xi32>,
        %get3A_136 = arith.constant 16 : index
        %get3A_137 = tpu.vector_load %arg11[%get3A_136] {strides = array<i32>} : memref<96xi32, #tpu.memory_space<vmem>>, vector<16xi32>,
        %get3A_138 = vector.shape_cast %get3A_137 : vector<16xi32> to vector<16xi32>
        %sub3A_139 = vector.broadcast %mul3A_12 : i32 to vector<16xi32>
        %sub3A_140 = arith.subi %get3A_138, %sub3A_139 : vector<16xi32>
        %ge3A_141 = arith.constant 0 : i32
        %ge3A_142 = vector.broadcast %ge3A_141 : i32 to vector<16xi32>
        %ge3A_143 = arith.cmpi sge, %sub3A_140, %ge3A_142 : vector<16xi32>
        %lt3A_144 = arith.constant 5000 : i32
        %lt3A_145 = vector.broadcast %lt3A_144 : i32 to vector<16xi32>
        %lt3A_146 = arith.cmpi slt, %sub3A_140, %lt3A_145 : vector<16xi32>
        %and3A_147 = arith.andi %ge3A_143, %lt3A_146 : vector<16xi1>
        %jit3A_148 = arith.constant 5000 : i32
        %broadcast_in_dim3A_149 = vector.broadcast %jit3A_148 : i32 to vector<16xi32>
        %select_n3A_150 = arith.select %and3A_147, %sub3A_140, %broadcast_in_dim3A_149 : vector<16xi1>, vector<16xi32>
        %swap3A_151 = arith.constant 16 : index
        %swap3A_152 = tpu.vector_load %arg13[%swap3A_151] {strides = array<i32>} : memref<96xi32, #tpu.memory_space<vmem>>, vector<16xi32>,
        %swap3A_153 = vector.shape_cast %swap3A_152 : vector<16xi32> to vector<16xi32>
        %swap3A_154 = vector.shape_cast %select_n3A_150 : vector<16xi32> to vector<16xi32>
        tpu.vector_store %arg13[%swap3A_151], %swap3A_154 {strides = array<i32>} : memref<96xi32, #tpu.memory_space<vmem>>, vector<16xi32>,
        %get3A_155 = arith.constant 32 : index
        %get3A_156 = tpu.vector_load %arg11[%get3A_155] {strides = array<i32>} : memref<96xi32, #tpu.memory_space<vmem>>, vector<16xi32>,
        %get3A_157 = vector.shape_cast %get3A_156 : vector<16xi32> to vector<16xi32>
        %sub3A_158 = vector.broadcast %mul3A_12 : i32 to vector<16xi32>
        %sub3A_159 = arith.subi %get3A_157, %sub3A_158 : vector<16xi32>
        %ge3A_160 = arith.constant 0 : i32
        %ge3A_161 = vector.broadcast %ge3A_160 : i32 to vector<16xi32>
        %ge3A_162 = arith.cmpi sge, %sub3A_159, %ge3A_161 : vector<16xi32>
        %lt3A_163 = arith.constant 5000 : i32
        %lt3A_164 = vector.broadcast %lt3A_163 : i32 to vector<16xi32>
        %lt3A_165 = arith.cmpi slt, %sub3A_159, %lt3A_164 : vector<16xi32>
        %and3A_166 = arith.andi %ge3A_162, %lt3A_165 : vector<16xi1>
        %jit3A_167 = arith.constant 5000 : i32
        %broadcast_in_dim3A_168 = vector.broadcast %jit3A_167 : i32 to vector<16xi32>
        %select_n3A_169 = arith.select %and3A_166, %sub3A_159, %broadcast_in_dim3A_168 : vector<16xi1>, vector<16xi32>
        %swap3A_170 = arith.constant 32 : index
        %swap3A_171 = tpu.vector_load %arg13[%swap3A_170] {strides = array<i32>} : memref<96xi32, #tpu.memory_space<vmem>>, vector<16xi32>,
        %swap3A_172 = vector.shape_cast %swap3A_171 : vector<16xi32> to vector<16xi32>
        %swap3A_173 = vector.shape_cast %select_n3A_169 : vector<16xi32> to vector<16xi32>
        tpu.vector_store %arg13[%swap3A_170], %swap3A_173 {strides = array<i32>} : memref<96xi32, #tpu.memory_space<vmem>>, vector<16xi32>,
        %get3A_174 = arith.constant 48 : index
        %get3A_175 = tpu.vector_load %arg11[%get3A_174] {strides = array<i32>} : memref<96xi32, #tpu.memory_space<vmem>>, vector<16xi32>,
        %get3A_176 = vector.shape_cast %get3A_175 : vector<16xi32> to vector<16xi32>
        %sub3A_177 = vector.broadcast %mul3A_12 : i32 to vector<16xi32>
        %sub3A_178 = arith.subi %get3A_176, %sub3A_177 : vector<16xi32>
        %ge3A_179 = arith.constant 0 : i32
        %ge3A_180 = vector.broadcast %ge3A_179 : i32 to vector<16xi32>
        %ge3A_181 = arith.cmpi sge, %sub3A_178, %ge3A_180 : vector<16xi32>
        %lt3A_182 = arith.constant 5000 : i32
        %lt3A_183 = vector.broadcast %lt3A_182 : i32 to vector<16xi32>
        %lt3A_184 = arith.cmpi slt, %sub3A_178, %lt3A_183 : vector<16xi32>
        %and3A_185 = arith.andi %ge3A_181, %lt3A_184 : vector<16xi1>
        %jit3A_186 = arith.constant 5000 : i32
        %broadcast_in_dim3A_187 = vector.broadcast %jit3A_186 : i32 to vector<16xi32>
        %select_n3A_188 = arith.select %and3A_185, %sub3A_178, %broadcast_in_dim3A_187 : vector<16xi1>, vector<16xi32>
        %swap3A_189 = arith.constant 48 : index
        %swap3A_190 = tpu.vector_load %arg13[%swap3A_189] {strides = array<i32>} : memref<96xi32, #tpu.memory_space<vmem>>, vector<16xi32>,
        %swap3A_191 = vector.shape_cast %swap3A_190 : vector<16xi32> to vector<16xi32>
        %swap3A_192 = vector.shape_cast %select_n3A_188 : vector<16xi32> to vector<16xi32>
        tpu.vector_store %arg13[%swap3A_189], %swap3A_192 {strides = array<i32>} : memref<96xi32, #tpu.memory_space<vmem>>, vector<16xi32>,
        %get3A_193 = arith.constant 64 : index
        %get3A_194 = tpu.vector_load %arg11[%get3A_193] {strides = array<i32>} : memref<96xi32, #tpu.memory_space<vmem>>, vector<16xi32>,
        %get3A_195 = vector.shape_cast %get3A_194 : vector<16xi32> to vector<16xi32>
        %sub3A_196 = vector.broadcast %mul3A_12 : i32 to vector<16xi32>
        %sub3A_197 = arith.subi %get3A_195, %sub3A_196 : vector<16xi32>
        %ge3A_198 = arith.constant 0 : i32
        %ge3A_199 = vector.broadcast %ge3A_198 : i32 to vector<16xi32>
        %ge3A_200 = arith.cmpi sge, %sub3A_197, %ge3A_199 : vector<16xi32>
        %lt3A_201 = arith.constant 5000 : i32
        %lt3A_202 = vector.broadcast %lt3A_201 : i32 to vector<16xi32>
        %lt3A_203 = arith.cmpi slt, %sub3A_197, %lt3A_202 : vector<16xi32>
        %and3A_204 = arith.andi %ge3A_200, %lt3A_203 : vector<16xi1>
        %jit3A_205 = arith.constant 5000 : i32
        %broadcast_in_dim3A_206 = vector.broadcast %jit3A_205 : i32 to vector<16xi32>
        %select_n3A_207 = arith.select %and3A_204, %sub3A_197, %broadcast_in_dim3A_206 : vector<16xi1>, vector<16xi32>
        %swap3A_208 = arith.constant 64 : index
        %swap3A_209 = tpu.vector_load %arg13[%swap3A_208] {strides = array<i32>} : memref<96xi32, #tpu.memory_space<vmem>>, vector<16xi32>,
        %swap3A_210 = vector.shape_cast %swap3A_209 : vector<16xi32> to vector<16xi32>
        %swap3A_211 = vector.shape_cast %select_n3A_207 : vector<16xi32> to vector<16xi32>
        tpu.vector_store %arg13[%swap3A_208], %swap3A_211 {strides = array<i32>} : memref<96xi32, #tpu.memory_space<vmem>>, vector<16xi32>,
        %get3A_212 = arith.constant 80 : index
        %get3A_213 = tpu.vector_load %arg11[%get3A_212] {strides = array<i32>} : memref<96xi32, #tpu.memory_space<vmem>>, vector<16xi32>,
        %get3A_214 = vector.shape_cast %get3A_213 : vector<16xi32> to vector<16xi32>
        %sub3A_215 = vector.broadcast %mul3A_12 : i32 to vector<16xi32>
        %sub3A_216 = arith.subi %get3A_214, %sub3A_215 : vector<16xi32>
        %ge3A_217 = arith.constant 0 : i32
        %ge3A_218 = vector.broadcast %ge3A_217 : i32 to vector<16xi32>
        %ge3A_219 = arith.cmpi sge, %sub3A_216, %ge3A_218 : vector<16xi32>
        %lt3A_220 = arith.constant 5000 : i32
        %lt3A_221 = vector.broadcast %lt3A_220 : i32 to vector<16xi32>
        %lt3A_222 = arith.cmpi slt, %sub3A_216, %lt3A_221 : vector<16xi32>
        %and3A_223 = arith.andi %ge3A_219, %lt3A_222 : vector<16xi1>
        %jit3A_224 = arith.constant 5000 : i32
        %broadcast_in_dim3A_225 = vector.broadcast %jit3A_224 : i32 to vector<16xi32>
        %select_n3A_226 = arith.select %and3A_223, %sub3A_216, %broadcast_in_dim3A_225 : vector<16xi1>, vector<16xi32>
        %swap3A_227 = arith.constant 80 : index
        %swap3A_228 = tpu.vector_load %arg13[%swap3A_227] {strides = array<i32>} : memref<96xi32, #tpu.memory_space<vmem>>, vector<16xi32>,
        %swap3A_229 = vector.shape_cast %swap3A_228 : vector<16xi32> to vector<16xi32>
        %swap3A_230 = vector.shape_cast %select_n3A_226 : vector<16xi32> to vector<16xi32>
        tpu.vector_store %arg13[%swap3A_227], %swap3A_230 {strides = array<i32>} : memref<96xi32, #tpu.memory_space<vmem>>, vector<16xi32>,
        %dma_start3A_231 = arith.constant 0 : i32
        %dma_start3A_232 = arith.constant 0 : i32
        %dma_start3A_233 = arith.constant 0 : i32
        %dma_start3A_234 = tpu.memref_slice %arg2[%dma_start3A_231, %dma_start3A_232, %dma_start3A_233] : memref<100000x2x128xf32, #tpu.memory_space<hbm>> -> memref<100000x2x128xf32, #tpu.memory_space<hbm>>
        tpu.enqueue_indirect_dma source(%dma_start3A_234 : memref<100000x2x128xf32, #tpu.memory_space<hbm>>) target(%arg15 : memref<96x2x128xf32, #tpu.memory_space<vmem>>) offsets(%arg10 : memref<96xi32, #tpu.memory_space<vmem>>) semaphore(%arg18 : memref<!tpu.dma_semaphore, #tpu.memory_space<semaphore_mem>>)
      } else {
      }
      %dma_wait3A = arith.constant 0 : i32
      %dma_wait3A_93 = arith.constant 0 : i32
      %dma_wait3A_94 = arith.constant 0 : i32
      %dma_wait3A_95 = tpu.memref_slice %arg2[%dma_wait3A, %dma_wait3A_93, %dma_wait3A_94] : memref<100000x2x128xf32, #tpu.memory_space<hbm>> -> memref<100000x2x128xf32, #tpu.memory_space<hbm>>
      tpu.wait_indirect_dma semaphore(%arg17 : memref<!tpu.dma_semaphore, #tpu.memory_space<semaphore_mem>>) src(%dma_wait3A_95 : memref<100000x2x128xf32, #tpu.memory_space<hbm>>) dst(%arg14 : memref<96x2x128xf32, #tpu.memory_space<vmem>>)
      "tpu.region"() ({
        %run_scoped3A = tpu.sem_alloc : memref<!tpu.dma_semaphore, #tpu.memory_space<semaphore_mem>>
        %dma_start3A = arith.constant 0 : i32
        %dma_start3A_106 = arith.constant 0 : i32
        %dma_start3A_107 = arith.constant 0 : i32
        %dma_start3A_108 = tpu.memref_slice %arg16[%dma_start3A, %dma_start3A_106, %dma_start3A_107] : memref<5008x2x128xf32, #tpu.memory_space<vmem_shared>> -> memref<5008x2x128xf32, #tpu.memory_space<vmem_shared>>
        tpu.enqueue_indirect_dma source(%arg14 : memref<96x2x128xf32, #tpu.memory_space<vmem>>) target(%dma_start3A_108 : memref<5008x2x128xf32, #tpu.memory_space<vmem_shared>>) offsets(%arg12 : memref<96xi32, #tpu.memory_space<vmem>>) semaphore(%run_scoped3A : memref<!tpu.dma_semaphore, #tpu.memory_space<semaphore_mem>>) {add = true}
        %dma_wait3A_109 = arith.constant 0 : i32
        %dma_wait3A_110 = arith.constant 0 : i32
        %dma_wait3A_111 = arith.constant 0 : i32
        %dma_wait3A_112 = tpu.memref_slice %arg16[%dma_wait3A_109, %dma_wait3A_110, %dma_wait3A_111] : memref<5008x2x128xf32, #tpu.memory_space<vmem_shared>> -> memref<5008x2x128xf32, #tpu.memory_space<vmem_shared>>
        tpu.wait_indirect_dma semaphore(%run_scoped3A : memref<!tpu.dma_semaphore, #tpu.memory_space<semaphore_mem>>) src(%arg14 : memref<96x2x128xf32, #tpu.memory_space<vmem>>) dst(%dma_wait3A_112 : memref<5008x2x128xf32, #tpu.memory_space<vmem_shared>>)
        tpu.yield
      }) : () -> ()
      %add3A_96 = arith.constant 1 : i32
      %add3A_97 = arith.addi %add3A_88, %add3A_96 : i32
      %lt3A_98 = arith.cmpi slt, %add3A_97, %max3A_31 : i32
      %convert_element_type3A_99 = arith.extui %lt3A_98 : i1 to i32
      %cond3A_100 = arith.constant 0 : i32
      %cond3A_101 = arith.cmpi ne, %convert_element_type3A_99, %cond3A_100 : i32
      scf.if %cond3A_101 {
        %add3A_106 = arith.constant 1 : i32
        %add3A_107 = arith.addi %add3A_88, %add3A_106 : i32
        %multiple_of3A_108 = tpu.assume_multiple %squeeze3A_10, 8 : i32
        %mul3A_109 = arith.constant 16 : i32
        %mul3A_110 = arith.muli %add3A_107, %mul3A_109 : i32
        %add3A_111 = arith.addi %mul3A_110, %arg1 : i32
        %mul3A_112 = arith.constant 96 : i32
        %mul3A_113 = arith.muli %add3A_111, %mul3A_112 : i32
        %add3A_114 = arith.addi %multiple_of3A_108, %mul3A_113 : i32
        %dma_start3A = tpu.memref_slice %arg3[%add3A_114] : memref<300000xi32, #tpu.memory_space<hbm>> -> memref<96xi32, #tpu.memory_space<hbm>>
        %dma_start3A_115 = tpu.memref_slice %arg3[%add3A_114] : memref<300000xi32, #tpu.memory_space<hbm>> -> memref<96xi32, #tpu.memory_space<hbm>>
        tpu.enqueue_dma source(%dma_start3A_115 : memref<96xi32, #tpu.memory_space<hbm>>) target(%arg9 : memref<96xi32, #tpu.memory_space<vmem>>) target_semaphore(%arg19 : memref<!tpu.dma_semaphore, #tpu.memory_space<semaphore_mem>>)
        %dma_start3A_116 = tpu.memref_slice %arg4[%add3A_114] : memref<300000xi32, #tpu.memory_space<hbm>> -> memref<96xi32, #tpu.memory_space<hbm>>
        %dma_start3A_117 = tpu.memref_slice %arg4[%add3A_114] : memref<300000xi32, #tpu.memory_space<hbm>> -> memref<96xi32, #tpu.memory_space<hbm>>
        tpu.enqueue_dma source(%dma_start3A_117 : memref<96xi32, #tpu.memory_space<hbm>>) target(%arg11 : memref<96xi32, #tpu.memory_space<vmem>>) target_semaphore(%arg19 : memref<!tpu.dma_semaphore, #tpu.memory_space<semaphore_mem>>)
        %dma_wait3A_118 = tpu.memref_slice %arg3[%add3A_114] : memref<300000xi32, #tpu.memory_space<hbm>> -> memref<96xi32, #tpu.memory_space<hbm>>
        %dma_wait3A_119 = tpu.memref_slice %arg3[%add3A_114] : memref<300000xi32, #tpu.memory_space<hbm>> -> memref<96xi32, #tpu.memory_space<hbm>>
        tpu.wait_dma2 semaphore(%arg19 : memref<!tpu.dma_semaphore, #tpu.memory_space<semaphore_mem>>) src(%dma_wait3A_119 : memref<96xi32, #tpu.memory_space<hbm>>) dst(%arg9 : memref<96xi32, #tpu.memory_space<vmem>>)
        %dma_wait3A_120 = tpu.memref_slice %arg4[%add3A_114] : memref<300000xi32, #tpu.memory_space<hbm>> -> memref<96xi32, #tpu.memory_space<hbm>>
        %dma_wait3A_121 = tpu.memref_slice %arg4[%add3A_114] : memref<300000xi32, #tpu.memory_space<hbm>> -> memref<96xi32, #tpu.memory_space<hbm>>
        tpu.wait_dma2 semaphore(%arg19 : memref<!tpu.dma_semaphore, #tpu.memory_space<semaphore_mem>>) src(%dma_wait3A_121 : memref<96xi32, #tpu.memory_space<hbm>>) dst(%arg11 : memref<96xi32, #tpu.memory_space<vmem>>)
        %get3A_122 = arith.constant 0 : index
        %get3A_123 = tpu.vector_load %arg11[%get3A_122] {strides = array<i32>} : memref<96xi32, #tpu.memory_space<vmem>>, vector<16xi32>,
        %get3A_124 = vector.shape_cast %get3A_123 : vector<16xi32> to vector<16xi32>
        %sub3A_125 = vector.broadcast %mul3A_12 : i32 to vector<16xi32>
        %sub3A_126 = arith.subi %get3A_124, %sub3A_125 : vector<16xi32>
        %ge3A = arith.constant 0 : i32
        %ge3A_127 = vector.broadcast %ge3A : i32 to vector<16xi32>
        %ge3A_128 = arith.cmpi sge, %sub3A_126, %ge3A_127 : vector<16xi32>
        %lt3A_129 = arith.constant 5000 : i32
        %lt3A_130 = vector.broadcast %lt3A_129 : i32 to vector<16xi32>
        %lt3A_131 = arith.cmpi slt, %sub3A_126, %lt3A_130 : vector<16xi32>
        %and3A_132 = arith.andi %ge3A_128, %lt3A_131 : vector<16xi1>
        %jit3A_133 = arith.constant 5000 : i32
        %broadcast_in_dim3A = vector.broadcast %jit3A_133 : i32 to vector<16xi32>
        %select_n3A_134 = arith.select %and3A_132, %sub3A_126, %broadcast_in_dim3A : vector<16xi1>, vector<16xi32>
        %swap3A = arith.constant 0 : index
        %swap3A_135 = tpu.vector_load %arg12[%swap3A] {strides = array<i32>} : memref<96xi32, #tpu.memory_space<vmem>>, vector<16xi32>,
        %swap3A_136 = vector.shape_cast %swap3A_135 : vector<16xi32> to vector<16xi32>
        %swap3A_137 = vector.shape_cast %select_n3A_134 : vector<16xi32> to vector<16xi32>
        tpu.vector_store %arg12[%swap3A], %swap3A_137 {strides = array<i32>} : memref<96xi32, #tpu.memory_space<vmem>>, vector<16xi32>,
        %get3A_138 = arith.constant 16 : index
        %get3A_139 = tpu.vector_load %arg11[%get3A_138] {strides = array<i32>} : memref<96xi32, #tpu.memory_space<vmem>>, vector<16xi32>,
        %get3A_140 = vector.shape_cast %get3A_139 : vector<16xi32> to vector<16xi32>
        %sub3A_141 = vector.broadcast %mul3A_12 : i32 to vector<16xi32>
        %sub3A_142 = arith.subi %get3A_140, %sub3A_141 : vector<16xi32>
        %ge3A_143 = arith.constant 0 : i32
        %ge3A_144 = vector.broadcast %ge3A_143 : i32 to vector<16xi32>
        %ge3A_145 = arith.cmpi sge, %sub3A_142, %ge3A_144 : vector<16xi32>
        %lt3A_146 = arith.constant 5000 : i32
        %lt3A_147 = vector.broadcast %lt3A_146 : i32 to vector<16xi32>
        %lt3A_148 = arith.cmpi slt, %sub3A_142, %lt3A_147 : vector<16xi32>
        %and3A_149 = arith.andi %ge3A_145, %lt3A_148 : vector<16xi1>
        %jit3A_150 = arith.constant 5000 : i32
        %broadcast_in_dim3A_151 = vector.broadcast %jit3A_150 : i32 to vector<16xi32>
        %select_n3A_152 = arith.select %and3A_149, %sub3A_142, %broadcast_in_dim3A_151 : vector<16xi1>, vector<16xi32>
        %swap3A_153 = arith.constant 16 : index
        %swap3A_154 = tpu.vector_load %arg12[%swap3A_153] {strides = array<i32>} : memref<96xi32, #tpu.memory_space<vmem>>, vector<16xi32>,
        %swap3A_155 = vector.shape_cast %swap3A_154 : vector<16xi32> to vector<16xi32>
        %swap3A_156 = vector.shape_cast %select_n3A_152 : vector<16xi32> to vector<16xi32>
        tpu.vector_store %arg12[%swap3A_153], %swap3A_156 {strides = array<i32>} : memref<96xi32, #tpu.memory_space<vmem>>, vector<16xi32>,
        %get3A_157 = arith.constant 32 : index
        %get3A_158 = tpu.vector_load %arg11[%get3A_157] {strides = array<i32>} : memref<96xi32, #tpu.memory_space<vmem>>, vector<16xi32>,
        %get3A_159 = vector.shape_cast %get3A_158 : vector<16xi32> to vector<16xi32>
        %sub3A_160 = vector.broadcast %mul3A_12 : i32 to vector<16xi32>
        %sub3A_161 = arith.subi %get3A_159, %sub3A_160 : vector<16xi32>
        %ge3A_162 = arith.constant 0 : i32
        %ge3A_163 = vector.broadcast %ge3A_162 : i32 to vector<16xi32>
        %ge3A_164 = arith.cmpi sge, %sub3A_161, %ge3A_163 : vector<16xi32>
        %lt3A_165 = arith.constant 5000 : i32
        %lt3A_166 = vector.broadcast %lt3A_165 : i32 to vector<16xi32>
        %lt3A_167 = arith.cmpi slt, %sub3A_161, %lt3A_166 : vector<16xi32>
        %and3A_168 = arith.andi %ge3A_164, %lt3A_167 : vector<16xi1>
        %jit3A_169 = arith.constant 5000 : i32
        %broadcast_in_dim3A_170 = vector.broadcast %jit3A_169 : i32 to vector<16xi32>
        %select_n3A_171 = arith.select %and3A_168, %sub3A_161, %broadcast_in_dim3A_170 : vector<16xi1>, vector<16xi32>
        %swap3A_172 = arith.constant 32 : index
        %swap3A_173 = tpu.vector_load %arg12[%swap3A_172] {strides = array<i32>} : memref<96xi32, #tpu.memory_space<vmem>>, vector<16xi32>,
        %swap3A_174 = vector.shape_cast %swap3A_173 : vector<16xi32> to vector<16xi32>
        %swap3A_175 = vector.shape_cast %select_n3A_171 : vector<16xi32> to vector<16xi32>
        tpu.vector_store %arg12[%swap3A_172], %swap3A_175 {strides = array<i32>} : memref<96xi32, #tpu.memory_space<vmem>>, vector<16xi32>,
        %get3A_176 = arith.constant 48 : index
        %get3A_177 = tpu.vector_load %arg11[%get3A_176] {strides = array<i32>} : memref<96xi32, #tpu.memory_space<vmem>>, vector<16xi32>,
        %get3A_178 = vector.shape_cast %get3A_177 : vector<16xi32> to vector<16xi32>
        %sub3A_179 = vector.broadcast %mul3A_12 : i32 to vector<16xi32>
        %sub3A_180 = arith.subi %get3A_178, %sub3A_179 : vector<16xi32>
        %ge3A_181 = arith.constant 0 : i32
        %ge3A_182 = vector.broadcast %ge3A_181 : i32 to vector<16xi32>
        %ge3A_183 = arith.cmpi sge, %sub3A_180, %ge3A_182 : vector<16xi32>
        %lt3A_184 = arith.constant 5000 : i32
        %lt3A_185 = vector.broadcast %lt3A_184 : i32 to vector<16xi32>
        %lt3A_186 = arith.cmpi slt, %sub3A_180, %lt3A_185 : vector<16xi32>
        %and3A_187 = arith.andi %ge3A_183, %lt3A_186 : vector<16xi1>
        %jit3A_188 = arith.constant 5000 : i32
        %broadcast_in_dim3A_189 = vector.broadcast %jit3A_188 : i32 to vector<16xi32>
        %select_n3A_190 = arith.select %and3A_187, %sub3A_180, %broadcast_in_dim3A_189 : vector<16xi1>, vector<16xi32>
        %swap3A_191 = arith.constant 48 : index
        %swap3A_192 = tpu.vector_load %arg12[%swap3A_191] {strides = array<i32>} : memref<96xi32, #tpu.memory_space<vmem>>, vector<16xi32>,
        %swap3A_193 = vector.shape_cast %swap3A_192 : vector<16xi32> to vector<16xi32>
        %swap3A_194 = vector.shape_cast %select_n3A_190 : vector<16xi32> to vector<16xi32>
        tpu.vector_store %arg12[%swap3A_191], %swap3A_194 {strides = array<i32>} : memref<96xi32, #tpu.memory_space<vmem>>, vector<16xi32>,
        %get3A_195 = arith.constant 64 : index
        %get3A_196 = tpu.vector_load %arg11[%get3A_195] {strides = array<i32>} : memref<96xi32, #tpu.memory_space<vmem>>, vector<16xi32>,
        %get3A_197 = vector.shape_cast %get3A_196 : vector<16xi32> to vector<16xi32>
        %sub3A_198 = vector.broadcast %mul3A_12 : i32 to vector<16xi32>
        %sub3A_199 = arith.subi %get3A_197, %sub3A_198 : vector<16xi32>
        %ge3A_200 = arith.constant 0 : i32
        %ge3A_201 = vector.broadcast %ge3A_200 : i32 to vector<16xi32>
        %ge3A_202 = arith.cmpi sge, %sub3A_199, %ge3A_201 : vector<16xi32>
        %lt3A_203 = arith.constant 5000 : i32
        %lt3A_204 = vector.broadcast %lt3A_203 : i32 to vector<16xi32>
        %lt3A_205 = arith.cmpi slt, %sub3A_199, %lt3A_204 : vector<16xi32>
        %and3A_206 = arith.andi %ge3A_202, %lt3A_205 : vector<16xi1>
        %jit3A_207 = arith.constant 5000 : i32
        %broadcast_in_dim3A_208 = vector.broadcast %jit3A_207 : i32 to vector<16xi32>
        %select_n3A_209 = arith.select %and3A_206, %sub3A_199, %broadcast_in_dim3A_208 : vector<16xi1>, vector<16xi32>
        %swap3A_210 = arith.constant 64 : index
        %swap3A_211 = tpu.vector_load %arg12[%swap3A_210] {strides = array<i32>} : memref<96xi32, #tpu.memory_space<vmem>>, vector<16xi32>,
        %swap3A_212 = vector.shape_cast %swap3A_211 : vector<16xi32> to vector<16xi32>
        %swap3A_213 = vector.shape_cast %select_n3A_209 : vector<16xi32> to vector<16xi32>
        tpu.vector_store %arg12[%swap3A_210], %swap3A_213 {strides = array<i32>} : memref<96xi32, #tpu.memory_space<vmem>>, vector<16xi32>,
        %get3A_214 = arith.constant 80 : index
        %get3A_215 = tpu.vector_load %arg11[%get3A_214] {strides = array<i32>} : memref<96xi32, #tpu.memory_space<vmem>>, vector<16xi32>,
        %get3A_216 = vector.shape_cast %get3A_215 : vector<16xi32> to vector<16xi32>
        %sub3A_217 = vector.broadcast %mul3A_12 : i32 to vector<16xi32>
        %sub3A_218 = arith.subi %get3A_216, %sub3A_217 : vector<16xi32>
        %ge3A_219 = arith.constant 0 : i32
        %ge3A_220 = vector.broadcast %ge3A_219 : i32 to vector<16xi32>
        %ge3A_221 = arith.cmpi sge, %sub3A_218, %ge3A_220 : vector<16xi32>
        %lt3A_222 = arith.constant 5000 : i32
        %lt3A_223 = vector.broadcast %lt3A_222 : i32 to vector<16xi32>
        %lt3A_224 = arith.cmpi slt, %sub3A_218, %lt3A_223 : vector<16xi32>
        %and3A_225 = arith.andi %ge3A_221, %lt3A_224 : vector<16xi1>
        %jit3A_226 = arith.constant 5000 : i32
        %broadcast_in_dim3A_227 = vector.broadcast %jit3A_226 : i32 to vector<16xi32>
        %select_n3A_228 = arith.select %and3A_225, %sub3A_218, %broadcast_in_dim3A_227 : vector<16xi1>, vector<16xi32>
        %swap3A_229 = arith.constant 80 : index
        %swap3A_230 = tpu.vector_load %arg12[%swap3A_229] {strides = array<i32>} : memref<96xi32, #tpu.memory_space<vmem>>, vector<16xi32>,
        %swap3A_231 = vector.shape_cast %swap3A_230 : vector<16xi32> to vector<16xi32>
        %swap3A_232 = vector.shape_cast %select_n3A_228 : vector<16xi32> to vector<16xi32>
        tpu.vector_store %arg12[%swap3A_229], %swap3A_232 {strides = array<i32>} : memref<96xi32, #tpu.memory_space<vmem>>, vector<16xi32>,
        %dma_start3A_233 = arith.constant 0 : i32
        %dma_start3A_234 = arith.constant 0 : i32
        %dma_start3A_235 = arith.constant 0 : i32
        %dma_start3A_236 = tpu.memref_slice %arg2[%dma_start3A_233, %dma_start3A_234, %dma_start3A_235] : memref<100000x2x128xf32, #tpu.memory_space<hbm>> -> memref<100000x2x128xf32, #tpu.memory_space<hbm>>
        tpu.enqueue_indirect_dma source(%dma_start3A_236 : memref<100000x2x128xf32, #tpu.memory_space<hbm>>) target(%arg14 : memref<96x2x128xf32, #tpu.memory_space<vmem>>) offsets(%arg9 : memref<96xi32, #tpu.memory_space<vmem>>) semaphore(%arg17 : memref<!tpu.dma_semaphore, #tpu.memory_space<semaphore_mem>>)
      } else {
      }
      %lt3A_102 = arith.cmpi slt, %add3A_88, %max3A_31 : i32
      %convert_element_type3A_103 = arith.extui %lt3A_102 : i1 to i32
      %cond3A_104 = arith.constant 0 : i32
      %cond3A_105 = arith.cmpi ne, %convert_element_type3A_103, %cond3A_104 : i32
      scf.if %cond3A_105 {
        %dma_wait3A_106 = arith.constant 0 : i32
        %dma_wait3A_107 = arith.constant 0 : i32
        %dma_wait3A_108 = arith.constant 0 : i32
        %dma_wait3A_109 = tpu.memref_slice %arg2[%dma_wait3A_106, %dma_wait3A_107, %dma_wait3A_108] : memref<100000x2x128xf32, #tpu.memory_space<hbm>> -> memref<100000x2x128xf32, #tpu.memory_space<hbm>>
        tpu.wait_indirect_dma semaphore(%arg18 : memref<!tpu.dma_semaphore, #tpu.memory_space<semaphore_mem>>) src(%dma_wait3A_109 : memref<100000x2x128xf32, #tpu.memory_space<hbm>>) dst(%arg15 : memref<96x2x128xf32, #tpu.memory_space<vmem>>)
        "tpu.region"() ({
          %run_scoped3A = tpu.sem_alloc : memref<!tpu.dma_semaphore, #tpu.memory_space<semaphore_mem>>
          %dma_start3A = arith.constant 0 : i32
          %dma_start3A_110 = arith.constant 0 : i32
          %dma_start3A_111 = arith.constant 0 : i32
          %dma_start3A_112 = tpu.memref_slice %arg16[%dma_start3A, %dma_start3A_110, %dma_start3A_111] : memref<5008x2x128xf32, #tpu.memory_space<vmem_shared>> -> memref<5008x2x128xf32, #tpu.memory_space<vmem_shared>>
          tpu.enqueue_indirect_dma source(%arg15 : memref<96x2x128xf32, #tpu.memory_space<vmem>>) target(%dma_start3A_112 : memref<5008x2x128xf32, #tpu.memory_space<vmem_shared>>) offsets(%arg13 : memref<96xi32, #tpu.memory_space<vmem>>) semaphore(%run_scoped3A : memref<!tpu.dma_semaphore, #tpu.memory_space<semaphore_mem>>) {add = true}
          %dma_wait3A_113 = arith.constant 0 : i32
          %dma_wait3A_114 = arith.constant 0 : i32
          %dma_wait3A_115 = arith.constant 0 : i32
          %dma_wait3A_116 = tpu.memref_slice %arg16[%dma_wait3A_113, %dma_wait3A_114, %dma_wait3A_115] : memref<5008x2x128xf32, #tpu.memory_space<vmem_shared>> -> memref<5008x2x128xf32, #tpu.memory_space<vmem_shared>>
          tpu.wait_indirect_dma semaphore(%run_scoped3A : memref<!tpu.dma_semaphore, #tpu.memory_space<semaphore_mem>>) src(%arg15 : memref<96x2x128xf32, #tpu.memory_space<vmem>>) dst(%dma_wait3A_116 : memref<5008x2x128xf32, #tpu.memory_space<vmem_shared>>)
          tpu.yield
        }) : () -> ()
      } else {
      }
    }
    %while3A_70 = arith.constant 1 : i32
    scf.for %while3A_82 = %while3A_68 to %while3A_64 step %while3A_70  : i32 {
      %mul3A_83 = arith.constant 2 : i32
      %mul3A_84 = arith.muli %mul3A_83, %while3A_82 : i32
      %mul3A_85 = arith.constant 2 : i32
      %mul3A_86 = arith.muli %mul3A_85, %while3A_82 : i32
      %add3A_87 = arith.constant 1 : i32
      %add3A_88 = arith.addi %mul3A_86, %add3A_87 : i32
      %lt3A_89 = arith.cmpi slt, %add3A_88, %max3A_31 : i32
      %convert_element_type3A_90 = arith.extui %lt3A_89 : i1 to i32
      %cond3A_91 = arith.constant 0 : i32
      %cond3A_92 = arith.cmpi ne, %convert_element_type3A_90, %cond3A_91 : i32
      scf.if %cond3A_92 {
        %multiple_of3A_106 = tpu.assume_multiple %squeeze3A_10, 8 : i32
        %mul3A_107 = arith.constant 16 : i32
        %mul3A_108 = arith.muli %add3A_88, %mul3A_107 : i32
        %add3A_109 = arith.addi %mul3A_108, %arg1 : i32
        %mul3A_110 = arith.constant 96 : i32
        %mul3A_111 = arith.muli %add3A_109, %mul3A_110 : i32
        %add3A_112 = arith.addi %multiple_of3A_106, %mul3A_111 : i32
        %dma_start3A = tpu.memref_slice %arg3[%add3A_112] : memref<300000xi32, #tpu.memory_space<hbm>> -> memref<96xi32, #tpu.memory_space<hbm>>
        %dma_start3A_113 = tpu.memref_slice %arg3[%add3A_112] : memref<300000xi32, #tpu.memory_space<hbm>> -> memref<96xi32, #tpu.memory_space<hbm>>
        tpu.enqueue_dma source(%dma_start3A_113 : memref<96xi32, #tpu.memory_space<hbm>>) target(%arg10 : memref<96xi32, #tpu.memory_space<vmem>>) target_semaphore(%arg19 : memref<!tpu.dma_semaphore, #tpu.memory_space<semaphore_mem>>)
        %dma_start3A_114 = tpu.memref_slice %arg4[%add3A_112] : memref<300000xi32, #tpu.memory_space<hbm>> -> memref<96xi32, #tpu.memory_space<hbm>>
        %dma_start3A_115 = tpu.memref_slice %arg4[%add3A_112] : memref<300000xi32, #tpu.memory_space<hbm>> -> memref<96xi32, #tpu.memory_space<hbm>>
        tpu.enqueue_dma source(%dma_start3A_115 : memref<96xi32, #tpu.memory_space<hbm>>) target(%arg11 : memref<96xi32, #tpu.memory_space<vmem>>) target_semaphore(%arg19 : memref<!tpu.dma_semaphore, #tpu.memory_space<semaphore_mem>>)
        %dma_wait3A_116 = tpu.memref_slice %arg3[%add3A_112] : memref<300000xi32, #tpu.memory_space<hbm>> -> memref<96xi32, #tpu.memory_space<hbm>>
        %dma_wait3A_117 = tpu.memref_slice %arg3[%add3A_112] : memref<300000xi32, #tpu.memory_space<hbm>> -> memref<96xi32, #tpu.memory_space<hbm>>
        tpu.wait_dma2 semaphore(%arg19 : memref<!tpu.dma_semaphore, #tpu.memory_space<semaphore_mem>>) src(%dma_wait3A_117 : memref<96xi32, #tpu.memory_space<hbm>>) dst(%arg10 : memref<96xi32, #tpu.memory_space<vmem>>)
        %dma_wait3A_118 = tpu.memref_slice %arg4[%add3A_112] : memref<300000xi32, #tpu.memory_space<hbm>> -> memref<96xi32, #tpu.memory_space<hbm>>
        %dma_wait3A_119 = tpu.memref_slice %arg4[%add3A_112] : memref<300000xi32, #tpu.memory_space<hbm>> -> memref<96xi32, #tpu.memory_space<hbm>>
        tpu.wait_dma2 semaphore(%arg19 : memref<!tpu.dma_semaphore, #tpu.memory_space<semaphore_mem>>) src(%dma_wait3A_119 : memref<96xi32, #tpu.memory_space<hbm>>) dst(%arg11 : memref<96xi32, #tpu.memory_space<vmem>>)
        %get3A_120 = arith.constant 0 : index
        %get3A_121 = tpu.vector_load %arg11[%get3A_120] {strides = array<i32>} : memref<96xi32, #tpu.memory_space<vmem>>, vector<16xi32>,
        %get3A_122 = vector.shape_cast %get3A_121 : vector<16xi32> to vector<16xi32>
        %sub3A_123 = vector.broadcast %mul3A_12 : i32 to vector<16xi32>
        %sub3A_124 = arith.subi %get3A_122, %sub3A_123 : vector<16xi32>
        %ge3A = arith.constant 0 : i32
        %ge3A_125 = vector.broadcast %ge3A : i32 to vector<16xi32>
        %ge3A_126 = arith.cmpi sge, %sub3A_124, %ge3A_125 : vector<16xi32>
        %lt3A_127 = arith.constant 5000 : i32
        %lt3A_128 = vector.broadcast %lt3A_127 : i32 to vector<16xi32>
        %lt3A_129 = arith.cmpi slt, %sub3A_124, %lt3A_128 : vector<16xi32>
        %and3A_130 = arith.andi %ge3A_126, %lt3A_129 : vector<16xi1>
        %jit3A_131 = arith.constant 5000 : i32
        %broadcast_in_dim3A = vector.broadcast %jit3A_131 : i32 to vector<16xi32>
        %select_n3A_132 = arith.select %and3A_130, %sub3A_124, %broadcast_in_dim3A : vector<16xi1>, vector<16xi32>
        %swap3A = arith.constant 0 : index
        %swap3A_133 = tpu.vector_load %arg13[%swap3A] {strides = array<i32>} : memref<96xi32, #tpu.memory_space<vmem>>, vector<16xi32>,
        %swap3A_134 = vector.shape_cast %swap3A_133 : vector<16xi32> to vector<16xi32>
        %swap3A_135 = vector.shape_cast %select_n3A_132 : vector<16xi32> to vector<16xi32>
        tpu.vector_store %arg13[%swap3A], %swap3A_135 {strides = array<i32>} : memref<96xi32, #tpu.memory_space<vmem>>, vector<16xi32>,
        %get3A_136 = arith.constant 16 : index
        %get3A_137 = tpu.vector_load %arg11[%get3A_136] {strides = array<i32>} : memref<96xi32, #tpu.memory_space<vmem>>, vector<16xi32>,
        %get3A_138 = vector.shape_cast %get3A_137 : vector<16xi32> to vector<16xi32>
        %sub3A_139 = vector.broadcast %mul3A_12 : i32 to vector<16xi32>
        %sub3A_140 = arith.subi %get3A_138, %sub3A_139 : vector<16xi32>
        %ge3A_141 = arith.constant 0 : i32
        %ge3A_142 = vector.broadcast %ge3A_141 : i32 to vector<16xi32>
        %ge3A_143 = arith.cmpi sge, %sub3A_140, %ge3A_142 : vector<16xi32>
        %lt3A_144 = arith.constant 5000 : i32
        %lt3A_145 = vector.broadcast %lt3A_144 : i32 to vector<16xi32>
        %lt3A_146 = arith.cmpi slt, %sub3A_140, %lt3A_145 : vector<16xi32>
        %and3A_147 = arith.andi %ge3A_143, %lt3A_146 : vector<16xi1>
        %jit3A_148 = arith.constant 5000 : i32
        %broadcast_in_dim3A_149 = vector.broadcast %jit3A_148 : i32 to vector<16xi32>
        %select_n3A_150 = arith.select %and3A_147, %sub3A_140, %broadcast_in_dim3A_149 : vector<16xi1>, vector<16xi32>
        %swap3A_151 = arith.constant 16 : index
        %swap3A_152 = tpu.vector_load %arg13[%swap3A_151] {strides = array<i32>} : memref<96xi32, #tpu.memory_space<vmem>>, vector<16xi32>,
        %swap3A_153 = vector.shape_cast %swap3A_152 : vector<16xi32> to vector<16xi32>
        %swap3A_154 = vector.shape_cast %select_n3A_150 : vector<16xi32> to vector<16xi32>
        tpu.vector_store %arg13[%swap3A_151], %swap3A_154 {strides = array<i32>} : memref<96xi32, #tpu.memory_space<vmem>>, vector<16xi32>,
        %get3A_155 = arith.constant 32 : index
        %get3A_156 = tpu.vector_load %arg11[%get3A_155] {strides = array<i32>} : memref<96xi32, #tpu.memory_space<vmem>>, vector<16xi32>,
        %get3A_157 = vector.shape_cast %get3A_156 : vector<16xi32> to vector<16xi32>
        %sub3A_158 = vector.broadcast %mul3A_12 : i32 to vector<16xi32>
        %sub3A_159 = arith.subi %get3A_157, %sub3A_158 : vector<16xi32>
        %ge3A_160 = arith.constant 0 : i32
        %ge3A_161 = vector.broadcast %ge3A_160 : i32 to vector<16xi32>
        %ge3A_162 = arith.cmpi sge, %sub3A_159, %ge3A_161 : vector<16xi32>
        %lt3A_163 = arith.constant 5000 : i32
        %lt3A_164 = vector.broadcast %lt3A_163 : i32 to vector<16xi32>
        %lt3A_165 = arith.cmpi slt, %sub3A_159, %lt3A_164 : vector<16xi32>
        %and3A_166 = arith.andi %ge3A_162, %lt3A_165 : vector<16xi1>
        %jit3A_167 = arith.constant 5000 : i32
        %broadcast_in_dim3A_168 = vector.broadcast %jit3A_167 : i32 to vector<16xi32>
        %select_n3A_169 = arith.select %and3A_166, %sub3A_159, %broadcast_in_dim3A_168 : vector<16xi1>, vector<16xi32>
        %swap3A_170 = arith.constant 32 : index
        %swap3A_171 = tpu.vector_load %arg13[%swap3A_170] {strides = array<i32>} : memref<96xi32, #tpu.memory_space<vmem>>, vector<16xi32>,
        %swap3A_172 = vector.shape_cast %swap3A_171 : vector<16xi32> to vector<16xi32>
        %swap3A_173 = vector.shape_cast %select_n3A_169 : vector<16xi32> to vector<16xi32>
        tpu.vector_store %arg13[%swap3A_170], %swap3A_173 {strides = array<i32>} : memref<96xi32, #tpu.memory_space<vmem>>, vector<16xi32>,
        %get3A_174 = arith.constant 48 : index
        %get3A_175 = tpu.vector_load %arg11[%get3A_174] {strides = array<i32>} : memref<96xi32, #tpu.memory_space<vmem>>, vector<16xi32>,
        %get3A_176 = vector.shape_cast %get3A_175 : vector<16xi32> to vector<16xi32>
        %sub3A_177 = vector.broadcast %mul3A_12 : i32 to vector<16xi32>
        %sub3A_178 = arith.subi %get3A_176, %sub3A_177 : vector<16xi32>
        %ge3A_179 = arith.constant 0 : i32
        %ge3A_180 = vector.broadcast %ge3A_179 : i32 to vector<16xi32>
        %ge3A_181 = arith.cmpi sge, %sub3A_178, %ge3A_180 : vector<16xi32>
        %lt3A_182 = arith.constant 5000 : i32
        %lt3A_183 = vector.broadcast %lt3A_182 : i32 to vector<16xi32>
        %lt3A_184 = arith.cmpi slt, %sub3A_178, %lt3A_183 : vector<16xi32>
        %and3A_185 = arith.andi %ge3A_181, %lt3A_184 : vector<16xi1>
        %jit3A_186 = arith.constant 5000 : i32
        %broadcast_in_dim3A_187 = vector.broadcast %jit3A_186 : i32 to vector<16xi32>
        %select_n3A_188 = arith.select %and3A_185, %sub3A_178, %broadcast_in_dim3A_187 : vector<16xi1>, vector<16xi32>
        %swap3A_189 = arith.constant 48 : index
        %swap3A_190 = tpu.vector_load %arg13[%swap3A_189] {strides = array<i32>} : memref<96xi32, #tpu.memory_space<vmem>>, vector<16xi32>,
        %swap3A_191 = vector.shape_cast %swap3A_190 : vector<16xi32> to vector<16xi32>
        %swap3A_192 = vector.shape_cast %select_n3A_188 : vector<16xi32> to vector<16xi32>
        tpu.vector_store %arg13[%swap3A_189], %swap3A_192 {strides = array<i32>} : memref<96xi32, #tpu.memory_space<vmem>>, vector<16xi32>,
        %get3A_193 = arith.constant 64 : index
        %get3A_194 = tpu.vector_load %arg11[%get3A_193] {strides = array<i32>} : memref<96xi32, #tpu.memory_space<vmem>>, vector<16xi32>,
        %get3A_195 = vector.shape_cast %get3A_194 : vector<16xi32> to vector<16xi32>
        %sub3A_196 = vector.broadcast %mul3A_12 : i32 to vector<16xi32>
        %sub3A_197 = arith.subi %get3A_195, %sub3A_196 : vector<16xi32>
        %ge3A_198 = arith.constant 0 : i32
        %ge3A_199 = vector.broadcast %ge3A_198 : i32 to vector<16xi32>
        %ge3A_200 = arith.cmpi sge, %sub3A_197, %ge3A_199 : vector<16xi32>
        %lt3A_201 = arith.constant 5000 : i32
        %lt3A_202 = vector.broadcast %lt3A_201 : i32 to vector<16xi32>
        %lt3A_203 = arith.cmpi slt, %sub3A_197, %lt3A_202 : vector<16xi32>
        %and3A_204 = arith.andi %ge3A_200, %lt3A_203 : vector<16xi1>
        %jit3A_205 = arith.constant 5000 : i32
        %broadcast_in_dim3A_206 = vector.broadcast %jit3A_205 : i32 to vector<16xi32>
        %select_n3A_207 = arith.select %and3A_204, %sub3A_197, %broadcast_in_dim3A_206 : vector<16xi1>, vector<16xi32>
        %swap3A_208 = arith.constant 64 : index
        %swap3A_209 = tpu.vector_load %arg13[%swap3A_208] {strides = array<i32>} : memref<96xi32, #tpu.memory_space<vmem>>, vector<16xi32>,
        %swap3A_210 = vector.shape_cast %swap3A_209 : vector<16xi32> to vector<16xi32>
        %swap3A_211 = vector.shape_cast %select_n3A_207 : vector<16xi32> to vector<16xi32>
        tpu.vector_store %arg13[%swap3A_208], %swap3A_211 {strides = array<i32>} : memref<96xi32, #tpu.memory_space<vmem>>, vector<16xi32>,
        %get3A_212 = arith.constant 80 : index
        %get3A_213 = tpu.vector_load %arg11[%get3A_212] {strides = array<i32>} : memref<96xi32, #tpu.memory_space<vmem>>, vector<16xi32>,
        %get3A_214 = vector.shape_cast %get3A_213 : vector<16xi32> to vector<16xi32>
        %sub3A_215 = vector.broadcast %mul3A_12 : i32 to vector<16xi32>
        %sub3A_216 = arith.subi %get3A_214, %sub3A_215 : vector<16xi32>
        %ge3A_217 = arith.constant 0 : i32
        %ge3A_218 = vector.broadcast %ge3A_217 : i32 to vector<16xi32>
        %ge3A_219 = arith.cmpi sge, %sub3A_216, %ge3A_218 : vector<16xi32>
        %lt3A_220 = arith.constant 5000 : i32
        %lt3A_221 = vector.broadcast %lt3A_220 : i32 to vector<16xi32>
        %lt3A_222 = arith.cmpi slt, %sub3A_216, %lt3A_221 : vector<16xi32>
        %and3A_223 = arith.andi %ge3A_219, %lt3A_222 : vector<16xi1>
        %jit3A_224 = arith.constant 5000 : i32
        %broadcast_in_dim3A_225 = vector.broadcast %jit3A_224 : i32 to vector<16xi32>
        %select_n3A_226 = arith.select %and3A_223, %sub3A_216, %broadcast_in_dim3A_225 : vector<16xi1>, vector<16xi32>
        %swap3A_227 = arith.constant 80 : index
        %swap3A_228 = tpu.vector_load %arg13[%swap3A_227] {strides = array<i32>} : memref<96xi32, #tpu.memory_space<vmem>>, vector<16xi32>,
        %swap3A_229 = vector.shape_cast %swap3A_228 : vector<16xi32> to vector<16xi32>
        %swap3A_230 = vector.shape_cast %select_n3A_226 : vector<16xi32> to vector<16xi32>
        tpu.vector_store %arg13[%swap3A_227], %swap3A_230 {strides = array<i32>} : memref<96xi32, #tpu.memory_space<vmem>>, vector<16xi32>,
        %dma_start3A_231 = arith.constant 0 : i32
        %dma_start3A_232 = arith.constant 0 : i32
        %dma_start3A_233 = arith.constant 0 : i32
        %dma_start3A_234 = tpu.memref_slice %arg2[%dma_start3A_231, %dma_start3A_232, %dma_start3A_233] : memref<100000x2x128xf32, #tpu.memory_space<hbm>> -> memref<100000x2x128xf32, #tpu.memory_space<hbm>>
        tpu.enqueue_indirect_dma source(%dma_start3A_234 : memref<100000x2x128xf32, #tpu.memory_space<hbm>>) target(%arg15 : memref<96x2x128xf32, #tpu.memory_space<vmem>>) offsets(%arg10 : memref<96xi32, #tpu.memory_space<vmem>>) semaphore(%arg18 : memref<!tpu.dma_semaphore, #tpu.memory_space<semaphore_mem>>)
      } else {
      }
      %dma_wait3A = arith.constant 0 : i32
      %dma_wait3A_93 = arith.constant 0 : i32
      %dma_wait3A_94 = arith.constant 0 : i32
      %dma_wait3A_95 = tpu.memref_slice %arg2[%dma_wait3A, %dma_wait3A_93, %dma_wait3A_94] : memref<100000x2x128xf32, #tpu.memory_space<hbm>> -> memref<100000x2x128xf32, #tpu.memory_space<hbm>>
      tpu.wait_indirect_dma semaphore(%arg17 : memref<!tpu.dma_semaphore, #tpu.memory_space<semaphore_mem>>) src(%dma_wait3A_95 : memref<100000x2x128xf32, #tpu.memory_space<hbm>>) dst(%arg14 : memref<96x2x128xf32, #tpu.memory_space<vmem>>)
      "tpu.region"() ({
        %run_scoped3A = tpu.sem_alloc : memref<!tpu.dma_semaphore, #tpu.memory_space<semaphore_mem>>
        %dma_start3A = arith.constant 0 : i32
        %dma_start3A_106 = arith.constant 0 : i32
        %dma_start3A_107 = arith.constant 0 : i32
        %dma_start3A_108 = tpu.memref_slice %arg16[%dma_start3A, %dma_start3A_106, %dma_start3A_107] : memref<5008x2x128xf32, #tpu.memory_space<vmem_shared>> -> memref<5008x2x128xf32, #tpu.memory_space<vmem_shared>>
        tpu.enqueue_indirect_dma source(%arg14 : memref<96x2x128xf32, #tpu.memory_space<vmem>>) target(%dma_start3A_108 : memref<5008x2x128xf32, #tpu.memory_space<vmem_shared>>) offsets(%arg12 : memref<96xi32, #tpu.memory_space<vmem>>) semaphore(%run_scoped3A : memref<!tpu.dma_semaphore, #tpu.memory_space<semaphore_mem>>) {add = true}
        %dma_wait3A_109 = arith.constant 0 : i32
        %dma_wait3A_110 = arith.constant 0 : i32
        %dma_wait3A_111 = arith.constant 0 : i32
        %dma_wait3A_112 = tpu.memref_slice %arg16[%dma_wait3A_109, %dma_wait3A_110, %dma_wait3A_111] : memref<5008x2x128xf32, #tpu.memory_space<vmem_shared>> -> memref<5008x2x128xf32, #tpu.memory_space<vmem_shared>>
        tpu.wait_indirect_dma semaphore(%run_scoped3A : memref<!tpu.dma_semaphore, #tpu.memory_space<semaphore_mem>>) src(%arg14 : memref<96x2x128xf32, #tpu.memory_space<vmem>>) dst(%dma_wait3A_112 : memref<5008x2x128xf32, #tpu.memory_space<vmem_shared>>)
        tpu.yield
      }) : () -> ()
      %add3A_96 = arith.constant 1 : i32
      %add3A_97 = arith.addi %add3A_88, %add3A_96 : i32
      %lt3A_98 = arith.cmpi slt, %add3A_97, %max3A_31 : i32
      %convert_element_type3A_99 = arith.extui %lt3A_98 : i1 to i32
      %cond3A_100 = arith.constant 0 : i32
      %cond3A_101 = arith.cmpi ne, %convert_element_type3A_99, %cond3A_100 : i32
      scf.if %cond3A_101 {
        %add3A_106 = arith.constant 1 : i32
        %add3A_107 = arith.addi %add3A_88, %add3A_106 : i32
        %multiple_of3A_108 = tpu.assume_multiple %squeeze3A_10, 8 : i32
        %mul3A_109 = arith.constant 16 : i32
        %mul3A_110 = arith.muli %add3A_107, %mul3A_109 : i32
        %add3A_111 = arith.addi %mul3A_110, %arg1 : i32
        %mul3A_112 = arith.constant 96 : i32
        %mul3A_113 = arith.muli %add3A_111, %mul3A_112 : i32
        %add3A_114 = arith.addi %multiple_of3A_108, %mul3A_113 : i32
        %dma_start3A = tpu.memref_slice %arg3[%add3A_114] : memref<300000xi32, #tpu.memory_space<hbm>> -> memref<96xi32, #tpu.memory_space<hbm>>
        %dma_start3A_115 = tpu.memref_slice %arg3[%add3A_114] : memref<300000xi32, #tpu.memory_space<hbm>> -> memref<96xi32, #tpu.memory_space<hbm>>
        tpu.enqueue_dma source(%dma_start3A_115 : memref<96xi32, #tpu.memory_space<hbm>>) target(%arg9 : memref<96xi32, #tpu.memory_space<vmem>>) target_semaphore(%arg19 : memref<!tpu.dma_semaphore, #tpu.memory_space<semaphore_mem>>)
        %dma_start3A_116 = tpu.memref_slice %arg4[%add3A_114] : memref<300000xi32, #tpu.memory_space<hbm>> -> memref<96xi32, #tpu.memory_space<hbm>>
        %dma_start3A_117 = tpu.memref_slice %arg4[%add3A_114] : memref<300000xi32, #tpu.memory_space<hbm>> -> memref<96xi32, #tpu.memory_space<hbm>>
        tpu.enqueue_dma source(%dma_start3A_117 : memref<96xi32, #tpu.memory_space<hbm>>) target(%arg11 : memref<96xi32, #tpu.memory_space<vmem>>) target_semaphore(%arg19 : memref<!tpu.dma_semaphore, #tpu.memory_space<semaphore_mem>>)
        %dma_wait3A_118 = tpu.memref_slice %arg3[%add3A_114] : memref<300000xi32, #tpu.memory_space<hbm>> -> memref<96xi32, #tpu.memory_space<hbm>>
        %dma_wait3A_119 = tpu.memref_slice %arg3[%add3A_114] : memref<300000xi32, #tpu.memory_space<hbm>> -> memref<96xi32, #tpu.memory_space<hbm>>
        tpu.wait_dma2 semaphore(%arg19 : memref<!tpu.dma_semaphore, #tpu.memory_space<semaphore_mem>>) src(%dma_wait3A_119 : memref<96xi32, #tpu.memory_space<hbm>>) dst(%arg9 : memref<96xi32, #tpu.memory_space<vmem>>)
        %dma_wait3A_120 = tpu.memref_slice %arg4[%add3A_114] : memref<300000xi32, #tpu.memory_space<hbm>> -> memref<96xi32, #tpu.memory_space<hbm>>
        %dma_wait3A_121 = tpu.memref_slice %arg4[%add3A_114] : memref<300000xi32, #tpu.memory_space<hbm>> -> memref<96xi32, #tpu.memory_space<hbm>>
        tpu.wait_dma2 semaphore(%arg19 : memref<!tpu.dma_semaphore, #tpu.memory_space<semaphore_mem>>) src(%dma_wait3A_121 : memref<96xi32, #tpu.memory_space<hbm>>) dst(%arg11 : memref<96xi32, #tpu.memory_space<vmem>>)
        %get3A_122 = arith.constant 0 : index
        %get3A_123 = tpu.vector_load %arg11[%get3A_122] {strides = array<i32>} : memref<96xi32, #tpu.memory_space<vmem>>, vector<16xi32>,
        %get3A_124 = vector.shape_cast %get3A_123 : vector<16xi32> to vector<16xi32>
        %sub3A_125 = vector.broadcast %mul3A_12 : i32 to vector<16xi32>
        %sub3A_126 = arith.subi %get3A_124, %sub3A_125 : vector<16xi32>
        %ge3A = arith.constant 0 : i32
        %ge3A_127 = vector.broadcast %ge3A : i32 to vector<16xi32>
        %ge3A_128 = arith.cmpi sge, %sub3A_126, %ge3A_127 : vector<16xi32>
        %lt3A_129 = arith.constant 5000 : i32
        %lt3A_130 = vector.broadcast %lt3A_129 : i32 to vector<16xi32>
        %lt3A_131 = arith.cmpi slt, %sub3A_126, %lt3A_130 : vector<16xi32>
        %and3A_132 = arith.andi %ge3A_128, %lt3A_131 : vector<16xi1>
        %jit3A_133 = arith.constant 5000 : i32
        %broadcast_in_dim3A = vector.broadcast %jit3A_133 : i32 to vector<16xi32>
        %select_n3A_134 = arith.select %and3A_132, %sub3A_126, %broadcast_in_dim3A : vector<16xi1>, vector<16xi32>
        %swap3A = arith.constant 0 : index
        %swap3A_135 = tpu.vector_load %arg12[%swap3A] {strides = array<i32>} : memref<96xi32, #tpu.memory_space<vmem>>, vector<16xi32>,
        %swap3A_136 = vector.shape_cast %swap3A_135 : vector<16xi32> to vector<16xi32>
        %swap3A_137 = vector.shape_cast %select_n3A_134 : vector<16xi32> to vector<16xi32>
        tpu.vector_store %arg12[%swap3A], %swap3A_137 {strides = array<i32>} : memref<96xi32, #tpu.memory_space<vmem>>, vector<16xi32>,
        %get3A_138 = arith.constant 16 : index
        %get3A_139 = tpu.vector_load %arg11[%get3A_138] {strides = array<i32>} : memref<96xi32, #tpu.memory_space<vmem>>, vector<16xi32>,
        %get3A_140 = vector.shape_cast %get3A_139 : vector<16xi32> to vector<16xi32>
        %sub3A_141 = vector.broadcast %mul3A_12 : i32 to vector<16xi32>
        %sub3A_142 = arith.subi %get3A_140, %sub3A_141 : vector<16xi32>
        %ge3A_143 = arith.constant 0 : i32
        %ge3A_144 = vector.broadcast %ge3A_143 : i32 to vector<16xi32>
        %ge3A_145 = arith.cmpi sge, %sub3A_142, %ge3A_144 : vector<16xi32>
        %lt3A_146 = arith.constant 5000 : i32
        %lt3A_147 = vector.broadcast %lt3A_146 : i32 to vector<16xi32>
        %lt3A_148 = arith.cmpi slt, %sub3A_142, %lt3A_147 : vector<16xi32>
        %and3A_149 = arith.andi %ge3A_145, %lt3A_148 : vector<16xi1>
        %jit3A_150 = arith.constant 5000 : i32
        %broadcast_in_dim3A_151 = vector.broadcast %jit3A_150 : i32 to vector<16xi32>
        %select_n3A_152 = arith.select %and3A_149, %sub3A_142, %broadcast_in_dim3A_151 : vector<16xi1>, vector<16xi32>
        %swap3A_153 = arith.constant 16 : index
        %swap3A_154 = tpu.vector_load %arg12[%swap3A_153] {strides = array<i32>} : memref<96xi32, #tpu.memory_space<vmem>>, vector<16xi32>,
        %swap3A_155 = vector.shape_cast %swap3A_154 : vector<16xi32> to vector<16xi32>
        %swap3A_156 = vector.shape_cast %select_n3A_152 : vector<16xi32> to vector<16xi32>
        tpu.vector_store %arg12[%swap3A_153], %swap3A_156 {strides = array<i32>} : memref<96xi32, #tpu.memory_space<vmem>>, vector<16xi32>,
        %get3A_157 = arith.constant 32 : index
        %get3A_158 = tpu.vector_load %arg11[%get3A_157] {strides = array<i32>} : memref<96xi32, #tpu.memory_space<vmem>>, vector<16xi32>,
        %get3A_159 = vector.shape_cast %get3A_158 : vector<16xi32> to vector<16xi32>
        %sub3A_160 = vector.broadcast %mul3A_12 : i32 to vector<16xi32>
        %sub3A_161 = arith.subi %get3A_159, %sub3A_160 : vector<16xi32>
        %ge3A_162 = arith.constant 0 : i32
        %ge3A_163 = vector.broadcast %ge3A_162 : i32 to vector<16xi32>
        %ge3A_164 = arith.cmpi sge, %sub3A_161, %ge3A_163 : vector<16xi32>
        %lt3A_165 = arith.constant 5000 : i32
        %lt3A_166 = vector.broadcast %lt3A_165 : i32 to vector<16xi32>
        %lt3A_167 = arith.cmpi slt, %sub3A_161, %lt3A_166 : vector<16xi32>
        %and3A_168 = arith.andi %ge3A_164, %lt3A_167 : vector<16xi1>
        %jit3A_169 = arith.constant 5000 : i32
        %broadcast_in_dim3A_170 = vector.broadcast %jit3A_169 : i32 to vector<16xi32>
        %select_n3A_171 = arith.select %and3A_168, %sub3A_161, %broadcast_in_dim3A_170 : vector<16xi1>, vector<16xi32>
        %swap3A_172 = arith.constant 32 : index
        %swap3A_173 = tpu.vector_load %arg12[%swap3A_172] {strides = array<i32>} : memref<96xi32, #tpu.memory_space<vmem>>, vector<16xi32>,
        %swap3A_174 = vector.shape_cast %swap3A_173 : vector<16xi32> to vector<16xi32>
        %swap3A_175 = vector.shape_cast %select_n3A_171 : vector<16xi32> to vector<16xi32>
        tpu.vector_store %arg12[%swap3A_172], %swap3A_175 {strides = array<i32>} : memref<96xi32, #tpu.memory_space<vmem>>, vector<16xi32>,
        %get3A_176 = arith.constant 48 : index
        %get3A_177 = tpu.vector_load %arg11[%get3A_176] {strides = array<i32>} : memref<96xi32, #tpu.memory_space<vmem>>, vector<16xi32>,
        %get3A_178 = vector.shape_cast %get3A_177 : vector<16xi32> to vector<16xi32>
        %sub3A_179 = vector.broadcast %mul3A_12 : i32 to vector<16xi32>
        %sub3A_180 = arith.subi %get3A_178, %sub3A_179 : vector<16xi32>
        %ge3A_181 = arith.constant 0 : i32
        %ge3A_182 = vector.broadcast %ge3A_181 : i32 to vector<16xi32>
        %ge3A_183 = arith.cmpi sge, %sub3A_180, %ge3A_182 : vector<16xi32>
        %lt3A_184 = arith.constant 5000 : i32
        %lt3A_185 = vector.broadcast %lt3A_184 : i32 to vector<16xi32>
        %lt3A_186 = arith.cmpi slt, %sub3A_180, %lt3A_185 : vector<16xi32>
        %and3A_187 = arith.andi %ge3A_183, %lt3A_186 : vector<16xi1>
        %jit3A_188 = arith.constant 5000 : i32
        %broadcast_in_dim3A_189 = vector.broadcast %jit3A_188 : i32 to vector<16xi32>
        %select_n3A_190 = arith.select %and3A_187, %sub3A_180, %broadcast_in_dim3A_189 : vector<16xi1>, vector<16xi32>
        %swap3A_191 = arith.constant 48 : index
        %swap3A_192 = tpu.vector_load %arg12[%swap3A_191] {strides = array<i32>} : memref<96xi32, #tpu.memory_space<vmem>>, vector<16xi32>,
        %swap3A_193 = vector.shape_cast %swap3A_192 : vector<16xi32> to vector<16xi32>
        %swap3A_194 = vector.shape_cast %select_n3A_190 : vector<16xi32> to vector<16xi32>
        tpu.vector_store %arg12[%swap3A_191], %swap3A_194 {strides = array<i32>} : memref<96xi32, #tpu.memory_space<vmem>>, vector<16xi32>,
        %get3A_195 = arith.constant 64 : index
        %get3A_196 = tpu.vector_load %arg11[%get3A_195] {strides = array<i32>} : memref<96xi32, #tpu.memory_space<vmem>>, vector<16xi32>,
        %get3A_197 = vector.shape_cast %get3A_196 : vector<16xi32> to vector<16xi32>
        %sub3A_198 = vector.broadcast %mul3A_12 : i32 to vector<16xi32>
        %sub3A_199 = arith.subi %get3A_197, %sub3A_198 : vector<16xi32>
        %ge3A_200 = arith.constant 0 : i32
        %ge3A_201 = vector.broadcast %ge3A_200 : i32 to vector<16xi32>
        %ge3A_202 = arith.cmpi sge, %sub3A_199, %ge3A_201 : vector<16xi32>
        %lt3A_203 = arith.constant 5000 : i32
        %lt3A_204 = vector.broadcast %lt3A_203 : i32 to vector<16xi32>
        %lt3A_205 = arith.cmpi slt, %sub3A_199, %lt3A_204 : vector<16xi32>
        %and3A_206 = arith.andi %ge3A_202, %lt3A_205 : vector<16xi1>
        %jit3A_207 = arith.constant 5000 : i32
        %broadcast_in_dim3A_208 = vector.broadcast %jit3A_207 : i32 to vector<16xi32>
        %select_n3A_209 = arith.select %and3A_206, %sub3A_199, %broadcast_in_dim3A_208 : vector<16xi1>, vector<16xi32>
        %swap3A_210 = arith.constant 64 : index
        %swap3A_211 = tpu.vector_load %arg12[%swap3A_210] {strides = array<i32>} : memref<96xi32, #tpu.memory_space<vmem>>, vector<16xi32>,
        %swap3A_212 = vector.shape_cast %swap3A_211 : vector<16xi32> to vector<16xi32>
        %swap3A_213 = vector.shape_cast %select_n3A_209 : vector<16xi32> to vector<16xi32>
        tpu.vector_store %arg12[%swap3A_210], %swap3A_213 {strides = array<i32>} : memref<96xi32, #tpu.memory_space<vmem>>, vector<16xi32>,
        %get3A_214 = arith.constant 80 : index
        %get3A_215 = tpu.vector_load %arg11[%get3A_214] {strides = array<i32>} : memref<96xi32, #tpu.memory_space<vmem>>, vector<16xi32>,
        %get3A_216 = vector.shape_cast %get3A_215 : vector<16xi32> to vector<16xi32>
        %sub3A_217 = vector.broadcast %mul3A_12 : i32 to vector<16xi32>
        %sub3A_218 = arith.subi %get3A_216, %sub3A_217 : vector<16xi32>
        %ge3A_219 = arith.constant 0 : i32
        %ge3A_220 = vector.broadcast %ge3A_219 : i32 to vector<16xi32>
        %ge3A_221 = arith.cmpi sge, %sub3A_218, %ge3A_220 : vector<16xi32>
        %lt3A_222 = arith.constant 5000 : i32
        %lt3A_223 = vector.broadcast %lt3A_222 : i32 to vector<16xi32>
        %lt3A_224 = arith.cmpi slt, %sub3A_218, %lt3A_223 : vector<16xi32>
        %and3A_225 = arith.andi %ge3A_221, %lt3A_224 : vector<16xi1>
        %jit3A_226 = arith.constant 5000 : i32
        %broadcast_in_dim3A_227 = vector.broadcast %jit3A_226 : i32 to vector<16xi32>
        %select_n3A_228 = arith.select %and3A_225, %sub3A_218, %broadcast_in_dim3A_227 : vector<16xi1>, vector<16xi32>
        %swap3A_229 = arith.constant 80 : index
        %swap3A_230 = tpu.vector_load %arg12[%swap3A_229] {strides = array<i32>} : memref<96xi32, #tpu.memory_space<vmem>>, vector<16xi32>,
        %swap3A_231 = vector.shape_cast %swap3A_230 : vector<16xi32> to vector<16xi32>
        %swap3A_232 = vector.shape_cast %select_n3A_228 : vector<16xi32> to vector<16xi32>
        tpu.vector_store %arg12[%swap3A_229], %swap3A_232 {strides = array<i32>} : memref<96xi32, #tpu.memory_space<vmem>>, vector<16xi32>,
        %dma_start3A_233 = arith.constant 0 : i32
        %dma_start3A_234 = arith.constant 0 : i32
        %dma_start3A_235 = arith.constant 0 : i32
        %dma_start3A_236 = tpu.memref_slice %arg2[%dma_start3A_233, %dma_start3A_234, %dma_start3A_235] : memref<100000x2x128xf32, #tpu.memory_space<hbm>> -> memref<100000x2x128xf32, #tpu.memory_space<hbm>>
        tpu.enqueue_indirect_dma source(%dma_start3A_236 : memref<100000x2x128xf32, #tpu.memory_space<hbm>>) target(%arg14 : memref<96x2x128xf32, #tpu.memory_space<vmem>>) offsets(%arg9 : memref<96xi32, #tpu.memory_space<vmem>>) semaphore(%arg17 : memref<!tpu.dma_semaphore, #tpu.memory_space<semaphore_mem>>)
      } else {
      }
      %lt3A_102 = arith.cmpi slt, %add3A_88, %max3A_31 : i32
      %convert_element_type3A_103 = arith.extui %lt3A_102 : i1 to i32
      %cond3A_104 = arith.constant 0 : i32
      %cond3A_105 = arith.cmpi ne, %convert_element_type3A_103, %cond3A_104 : i32
      scf.if %cond3A_105 {
        %dma_wait3A_106 = arith.constant 0 : i32
        %dma_wait3A_107 = arith.constant 0 : i32
        %dma_wait3A_108 = arith.constant 0 : i32
        %dma_wait3A_109 = tpu.memref_slice %arg2[%dma_wait3A_106, %dma_wait3A_107, %dma_wait3A_108] : memref<100000x2x128xf32, #tpu.memory_space<hbm>> -> memref<100000x2x128xf32, #tpu.memory_space<hbm>>
        tpu.wait_indirect_dma semaphore(%arg18 : memref<!tpu.dma_semaphore, #tpu.memory_space<semaphore_mem>>) src(%dma_wait3A_109 : memref<100000x2x128xf32, #tpu.memory_space<hbm>>) dst(%arg15 : memref<96x2x128xf32, #tpu.memory_space<vmem>>)
        "tpu.region"() ({
          %run_scoped3A = tpu.sem_alloc : memref<!tpu.dma_semaphore, #tpu.memory_space<semaphore_mem>>
          %dma_start3A = arith.constant 0 : i32
          %dma_start3A_110 = arith.constant 0 : i32
          %dma_start3A_111 = arith.constant 0 : i32
          %dma_start3A_112 = tpu.memref_slice %arg16[%dma_start3A, %dma_start3A_110, %dma_start3A_111] : memref<5008x2x128xf32, #tpu.memory_space<vmem_shared>> -> memref<5008x2x128xf32, #tpu.memory_space<vmem_shared>>
          tpu.enqueue_indirect_dma source(%arg15 : memref<96x2x128xf32, #tpu.memory_space<vmem>>) target(%dma_start3A_112 : memref<5008x2x128xf32, #tpu.memory_space<vmem_shared>>) offsets(%arg13 : memref<96xi32, #tpu.memory_space<vmem>>) semaphore(%run_scoped3A : memref<!tpu.dma_semaphore, #tpu.memory_space<semaphore_mem>>) {add = true}
          %dma_wait3A_113 = arith.constant 0 : i32
          %dma_wait3A_114 = arith.constant 0 : i32
          %dma_wait3A_115 = arith.constant 0 : i32
          %dma_wait3A_116 = tpu.memref_slice %arg16[%dma_wait3A_113, %dma_wait3A_114, %dma_wait3A_115] : memref<5008x2x128xf32, #tpu.memory_space<vmem_shared>> -> memref<5008x2x128xf32, #tpu.memory_space<vmem_shared>>
          tpu.wait_indirect_dma semaphore(%run_scoped3A : memref<!tpu.dma_semaphore, #tpu.memory_space<semaphore_mem>>) src(%arg15 : memref<96x2x128xf32, #tpu.memory_space<vmem>>) dst(%dma_wait3A_116 : memref<5008x2x128xf32, #tpu.memory_space<vmem_shared>>)
          tpu.yield
        }) : () -> ()
      } else {
      }
    }
    %barrier3A_71 = arith.constant 0 : index
    tpu.barrier barrier_id(%barrier3A_71)
    %lt3A_72 = arith.constant 15 : i32
    %lt3A_73 = arith.cmpi slt, %arg1, %lt3A_72 : i32
    %convert_element_type3A_74 = arith.extui %lt3A_73 : i1 to i32
    %cond3A_75 = arith.constant 0 : i32
    %cond3A_76 = arith.cmpi ne, %convert_element_type3A_74, %cond3A_75 : i32
    scf.if %cond3A_76 {
      %mul3A_82 = arith.constant 312 : i32
      %mul3A_83 = arith.muli %arg1, %mul3A_82 : i32
      %multiple_of3A_84 = tpu.assume_multiple %mul3A_83, 8 : i32
      %mul3A_85 = arith.constant 5000 : i32
      %mul3A_86 = arith.muli %arg0, %mul3A_85 : i32
      %add3A_87 = arith.addi %mul3A_86, %multiple_of3A_84 : i32
      "tpu.region"() ({
        %run_scoped3A = tpu.sem_alloc : memref<!tpu.dma_semaphore, #tpu.memory_space<semaphore_mem>>
        %dma_start3A = arith.constant 0 : i32
        %dma_start3A_88 = arith.constant 0 : i32
        %dma_start3A_89 = tpu.memref_slice %arg7[%add3A_87, %dma_start3A, %dma_start3A_88] : memref<10000x2x128xf32, #tpu.memory_space<hbm>> -> memref<312x2x128xf32, #tpu.memory_space<hbm>>
        %dma_start3A_90 = arith.constant 0 : i32
        %dma_start3A_91 = arith.constant 0 : i32
        %dma_start3A_92 = tpu.memref_slice %arg16[%multiple_of3A_84, %dma_start3A_90, %dma_start3A_91] : memref<5008x2x128xf32, #tpu.memory_space<vmem_shared>> -> memref<312x2x128xf32, #tpu.memory_space<vmem_shared>>
        tpu.enqueue_dma source(%dma_start3A_92 : memref<312x2x128xf32, #tpu.memory_space<vmem_shared>>) target(%dma_start3A_89 : memref<312x2x128xf32, #tpu.memory_space<hbm>>) target_semaphore(%run_scoped3A : memref<!tpu.dma_semaphore, #tpu.memory_space<semaphore_mem>>)
        %dma_wait3A = arith.constant 0 : i32
        %dma_wait3A_93 = arith.constant 0 : i32
        %dma_wait3A_94 = tpu.memref_slice %arg7[%add3A_87, %dma_wait3A, %dma_wait3A_93] : memref<10000x2x128xf32, #tpu.memory_space<hbm>> -> memref<312x2x128xf32, #tpu.memory_space<hbm>>
        %dma_wait3A_95 = arith.constant 0 : i32
        %dma_wait3A_96 = arith.constant 0 : i32
        %dma_wait3A_97 = tpu.memref_slice %arg16[%multiple_of3A_84, %dma_wait3A_95, %dma_wait3A_96] : memref<5008x2x128xf32, #tpu.memory_space<vmem_shared>> -> memref<312x2x128xf32, #tpu.memory_space<vmem_shared>>
        tpu.wait_dma2 semaphore(%run_scoped3A : memref<!tpu.dma_semaphore, #tpu.memory_space<semaphore_mem>>) src(%dma_wait3A_97 : memref<312x2x128xf32, #tpu.memory_space<vmem_shared>>) dst(%dma_wait3A_94 : memref<312x2x128xf32, #tpu.memory_space<hbm>>)
        tpu.yield
      }) : () -> ()
    } else {
    }
    %eq3A_77 = arith.constant 15 : i32
    %eq3A_78 = arith.cmpi eq, %arg1, %eq3A_77 : i32
    %convert_element_type3A_79 = arith.extui %eq3A_78 : i1 to i32
    %cond3A_80 = arith.constant 0 : i32
    %cond3A_81 = arith.cmpi ne, %convert_element_type3A_79, %cond3A_80 : i32
    scf.if %cond3A_81 {
      %mul3A_82 = arith.constant 5000 : i32
      %mul3A_83 = arith.muli %arg0, %mul3A_82 : i32
      %add3A_84 = arith.constant 4680 : i32
      %add3A_85 = arith.addi %mul3A_83, %add3A_84 : i32
      "tpu.region"() ({
        %run_scoped3A = tpu.sem_alloc : memref<!tpu.dma_semaphore, #tpu.memory_space<semaphore_mem>>
        %dma_start3A = arith.constant 0 : i32
        %dma_start3A_86 = arith.constant 0 : i32
        %dma_start3A_87 = tpu.memref_slice %arg7[%add3A_85, %dma_start3A, %dma_start3A_86] : memref<10000x2x128xf32, #tpu.memory_space<hbm>> -> memref<320x2x128xf32, #tpu.memory_space<hbm>>
        %dma_start3A_88 = arith.constant 4680 : i32
        %dma_start3A_89 = arith.constant 0 : i32
        %dma_start3A_90 = arith.constant 0 : i32
        %dma_start3A_91 = tpu.memref_slice %arg16[%dma_start3A_88, %dma_start3A_89, %dma_start3A_90] : memref<5008x2x128xf32, #tpu.memory_space<vmem_shared>> -> memref<320x2x128xf32, #tpu.memory_space<vmem_shared>>
        tpu.enqueue_dma source(%dma_start3A_91 : memref<320x2x128xf32, #tpu.memory_space<vmem_shared>>) target(%dma_start3A_87 : memref<320x2x128xf32, #tpu.memory_space<hbm>>) target_semaphore(%run_scoped3A : memref<!tpu.dma_semaphore, #tpu.memory_space<semaphore_mem>>)
        %dma_wait3A = arith.constant 0 : i32
        %dma_wait3A_92 = arith.constant 0 : i32
        %dma_wait3A_93 = tpu.memref_slice %arg7[%add3A_85, %dma_wait3A, %dma_wait3A_92] : memref<10000x2x128xf32, #tpu.memory_space<hbm>> -> memref<320x2x128xf32, #tpu.memory_space<hbm>>
        %dma_wait3A_94 = arith.constant 4680 : i32
        %dma_wait3A_95 = arith.constant 0 : i32
        %dma_wait3A_96 = arith.constant 0 : i32
        %dma_wait3A_97 = tpu.memref_slice %arg16[%dma_wait3A_94, %dma_wait3A_95, %dma_wait3A_96] : memref<5008x2x128xf32, #tpu.memory_space<vmem_shared>> -> memref<320x2x128xf32, #tpu.memory_space<vmem_shared>>
        tpu.wait_dma2 semaphore(%run_scoped3A : memref<!tpu.dma_semaphore, #tpu.memory_space<semaphore_mem>>) src(%dma_wait3A_97 : memref<320x2x128xf32, #tpu.memory_space<vmem_shared>>) dst(%dma_wait3A_93 : memref<320x2x128xf32, #tpu.memory_space<hbm>>)
        tpu.yield
      }) : () -> ()
    } else {
    }
    return
  }
}

</mosaic_0001>

<sc_bundles>
// kernel: kernel.3.cloned.1.call-start
scs
__scs_entry_jumppad:
0x0: {  	(pc) =	sbr.rel $0x88, $3  }
0x1: {  	(tag) =	ssettag $0x0;
	lr =	simm.s32 $0x1  }
0x2: {  	[smem:$0x3F9E] =	sst lr;
	_ =	strace $0xD0000000  }
0x3: {  	_ = 	snop  }
0x4: {  	_ = 	snop  }
0x5: {  	_ = 	snop  }
0x6: {  	_ = 	snop  }
0x7: {  	_ = 	snop  }
__scs_overlays_trampoline_lowered:
0x8: {  	[smem:$0x3FAD] =	sst s0  }
0x9: {  	[smem:$0x3FAE] =	sst s1  }
0xa: {  	[smem:$0x3FAF] =	sst s2  }
0xb: {  	[smem:$0x3FB0] =	sst s3  }
0xc: {  	[smem:$0x3FB1] =	sst s4  }
0xd: {  	[smem:$0x3FB2] =	sst s5  }
0xe: {  	[smem:$0x3FB3] =	sst s6  }
0xf: {  	[smem:$0x3FB4] =	sst s7  }
0x10: {  	[smem:$0x3FB5] =	sst s8  }
0x11: {  	[smem:$0x3FB6] =	sst s9;
	s0 =	simm.s32 @!p0 $0x0  }
0x12: {  	s1 =	sld [smem:$0x3F9C];
	s0 =	simm.s32 @p0 $0x1  }
0x13: {  	[smem:$0x3FB7] =	sst s0;
	s0 =	simm.s32 @!p1 $0x0  }
0x14: {  	s2 =	sld [smem:$0x3F9B];
	s0 =	simm.s32 @p1 $0x1  }
0x15: {  	[smem:$0x3FB8] =	sst s0;
	s0 =	simm.s32 @!p2 $0x0  }
0x16: {  	s3 =	sld [smem:$0x3FDB];
	s0 =	simm.s32 @p2 $0x1  }
0x17: {  	s4 =	simm.s32 $0x1BF5;
	[smem:$0x3FBA] =	sst s0  }
0x18: {  	s0 =	sld [smem:$0x3F9D];
	_ =	swait.ge [sflag:s4], $0x0  }
0x19: {  	s7 =	sld [smem:$0x3F9E]  }
0x1a: {  	s8 =	sadd.s32 $0xFFFFE003, lr  }
0x1b: {  	s9 =	sadd.s32 $0xFFFFFEF7, lr;
	s5 =	simm.s32 $0xFFFFFFFF;
	p2 =	slt.u32 s8, $0xFFFFF086  }
0x1c: {  	p1 =	slt.u32 s9, $0xF7A;
	s5 =	simm.s32 @!p2 $0x0  }
0x1d: {  	s5 =	simm.s32 @p1 $0x1;
	p0 =	seq.s32 s7, s2  }
0x1e: {  	s7 =	smul.u32 @!p0 $0xF7A, s2;
	p2 =	seq.s32 @!p0 s5, $0x0  }
0x1f: {  	s9 =	smul.u32 $0xF7A, s1;
	s8 =	simm.s32 @!p0 $0x1BF5;
	p2 =	por !p2, p0  }
0x20: {  	[sflag:s8] =	ssyncset.s32 @!p0 $0xFFFFF086;
	s6 =	sadd.s32 @!p0 s3, s7;
	s7 =	simm.s32 @!p0 $0x108  }
0x21: {  	s3 =	sadd.s32 s3, s9;
	s6 =	sadd.s32 @!p0 $0x88, s6;
	s7 =	simm.s32 @p2 $0x1082  }
0x22: {  	[simem:s7], [sflag:s8] =	dma.local @!p0 [hbm:s6], $0xF7A  }
0x23: {  	s9 =	sor.u32 $0xD0000000, s2;
	s6 =	simm.s32 $0x108;
	_ =	swait.ge @!p0 [sflag:s8], $0x0  }
0x24: {  	s3 =	sadd.s32 $0x88, s3;
	s6 =	simm.s32 @!p1 $0x1082;
	[sflag:s4] =	ssyncset.s32 $0xFFFFF086  }
0x25: {  	[simem:s6], [sflag:s4] =	dma.local [hbm:s3], $0xF7A  }
0x26: {  	[smem:$0x3F9E] =	sst s1;
	(tag) =	ssettag s2;
	_ =	strace s9  }
0x27: {  	s1 =	sld [smem:$0x3FAE]  }
0x28: {  	s2 =	sld [smem:$0x3FAF]  }
0x29: {  	s4 =	sld [smem:$0x3FB1]  }
0x2a: {  	p0 =	seq.s32 s5, $0x0;
	s5 =	sld [smem:$0x3FB2]  }
0x2b: {  	s6 =	sld [smem:$0x3FB3]  }
0x2c: {  	s7 =	sld [smem:$0x3FB4]  }
0x2d: {  	s3 =	simm.s32 $0x108;
	s8 =	sld [smem:$0x3FB5]  }
0x2e: {  	s3 =	simm.s32 @!p0 $0x1082;
	s9 =	sld [smem:$0x3FB6]  }
0x2f: {  	lr =	sadd.s32 s0, s3;
	s0 =	sld [smem:$0x3FAD]  }
0x30: {  	s3 =	sld [smem:$0x3FB0]  }
0x31: {  	[smem:$0x3FB9] =	sst s10  }
0x32: {  	s10 =	sld [smem:$0x3FB7];
	_ =	sdelay $0x3  }
0x33: {  	p0 =	seq.s32 s10, $0x1;
	s10 =	sld [smem:$0x3FB9];
	_ =	sdelay $0x3  }
0x34: {  	[smem:$0x3FB9] =	sst s10  }
0x35: {  	s10 =	sld [smem:$0x3FB8];
	_ =	sdelay $0x3  }
0x36: {  	p1 =	seq.s32 s10, $0x1;
	s10 =	sld [smem:$0x3FB9];
	_ =	sdelay $0x3  }
0x37: {  	[smem:$0x3FB9] =	sst s10  }
0x38: {  	s10 =	sld [smem:$0x3FBA]  }
0x39: {  	_ = 	snop;
	(pc) =	sbr.ind lr, $3  }
0x3a: {  	_ = 	snop  }
0x3b: {  	_ = 	snop  }
0x3c: {  	p2 =	seq.s32 s10, $0x1;
	s10 =	sld [smem:$0x3FB9]  }
0x3d: {  	_ =	shalt  }
0x3e: {  	_ =	shalt  }
0x3f: {  	_ =	shalt  }
0x40: {  	_ =	shalt  }
0x41: {  	_ =	shalt  }
0x42: {  	_ =	shalt  }
0x43: {  	_ =	shalt  }
0x44: {  	_ =	shalt  }
0x45: {  	_ =	shalt  }
0x46: {  	_ =	shalt  }
0x47: {  	_ =	shalt  }
0x48: {  	_ =	shalt  }
0x49: {  	_ =	shalt  }
0x4a: {  	_ =	shalt  }
0x4b: {  	_ =	shalt  }
0x4c: {  	_ =	shalt  }
0x4d: {  	_ =	shalt  }
0x4e: {  	_ =	shalt  }
0x4f: {  	_ =	shalt  }
0x50: {  	_ =	shalt  }
0x51: {  	_ =	shalt  }
0x52: {  	_ =	shalt  }
0x53: {  	_ =	shalt  }
0x54: {  	_ =	shalt  }
0x55: {  	_ =	shalt  }
0x56: {  	_ =	shalt  }
0x57: {  	_ =	shalt  }
0x58: {  	_ =	shalt  }
0x59: {  	_ =	shalt  }
0x5a: {  	_ =	shalt  }
0x5b: {  	_ =	shalt  }
0x5c: {  	_ =	shalt  }
0x5d: {  	_ =	shalt  }
0x5e: {  	_ =	shalt  }
0x5f: {  	_ =	shalt  }
0x60: {  	_ =	shalt  }
0x61: {  	_ =	shalt  }
0x62: {  	_ =	shalt  }
0x63: {  	_ =	shalt  }
0x64: {  	_ =	shalt  }
0x65: {  	_ =	shalt  }
0x66: {  	_ =	shalt  }
0x67: {  	_ =	shalt  }
0x68: {  	_ =	shalt  }
0x69: {  	_ =	shalt  }
0x6a: {  	_ =	shalt  }
0x6b: {  	_ =	shalt  }
0x6c: {  	_ =	shalt  }
0x6d: {  	_ =	shalt  }
0x6e: {  	_ =	shalt  }
0x6f: {  	_ =	shalt  }
0x70: {  	_ =	shalt  }
0x71: {  	_ =	shalt  }
0x72: {  	_ =	shalt  }
0x73: {  	_ =	shalt  }
0x74: {  	_ =	shalt  }
0x75: {  	_ =	shalt  }
0x76: {  	_ =	shalt  }
0x77: {  	_ =	shalt  }
0x78: {  	_ =	shalt  }
0x79: {  	_ =	shalt  }
0x7a: {  	_ =	shalt  }
0x7b: {  	_ =	shalt  }
0x7c: {  	_ =	shalt  }
0x7d: {  	_ =	shalt  }
0x7e: {  	_ =	shalt  }
0x7f: {  	_ =	shalt  }
0x80: {  	_ =	shalt  }
0x81: {  	_ =	shalt  }
0x82: {  	_ =	shalt  }
0x83: {  	_ =	shalt  }
0x84: {  	_ =	shalt  }
0x85: {  	_ =	shalt  }
0x86: {  	_ =	shalt  }
0x87: {  	_ =	shalt  }
.Lfunc_end0:
.L_simem_size_0:
called_computation_lowered:
.L_overlay_start_0:
0x88: {  	s2 =	sld [smem:$0x3FD9]  }
0x89: {  	s3 =	sld [smem:$0x3FFE];
	_ =	sdelay $0x1  }
0x8a: {  	s1 =	srdreg.scid  }
0x8b: {  	s0 =	sand.u32 $0x1, s1  }
0x8c: {  	s17 =	sshll.u32 s0, $0xA;
	s2 =	sadd.s32 s3, s2  }
0x8d: {  	s2 =	sadd.s32 s2, s17  }
0x8e: {  	[smem:$0x3FC5] =	sst s2  }
0x8f: {  	_ = 	snop  }
0x90: {  	s2 =	sld [smem:$0x3FC8]  }
0x91: {  	s18 =	sld [smem:$0x3FC7]  }
0x92: {  	s4 =	sld [smem:$0x3FD0];
	(tm) =	ssettm $0x1  }
0x93: {  	s5 =	sld [smem:$0x3FFB];
	_ =	sdelay $0x3  }
0x94: {  	_ =	strace s5  }
0x95: {  	s5 =	sld [smem:$0x3FFC];
	_ =	sdelay $0x3  }
0x96: {  	_ =	strace s5  }
0x97: {  	s5 =	sld [smem:$0x3FFD];
	_ =	sdelay $0x3  }
0x98: {  	_ =	strace s5  }
0x99: {  	_ =	strace $0x8FFFFFFF  }
0x9a: {  	s19 =	sld [smem:$0x3FDB];
	_ =	sdelay $0x1  }
0x9b: {  	s6 =	simm.s32 $_scs_section_size  }
0x9c: {  	s7 =	simm.s32 $_size__tile_overlayer_lowered;
	s8 =	simm.s32 $_tile_overlayer_lowered  }
0x9d: {  	s22 =	simm.s32 $0x1BFF;
	s21 =	sshll.u32 s8, $0x1;
	s5 =	sadd.s32 s6, s19  }
0x9e: {  	s9 =	simm.s32 $0x0;
	s20 =	sshll.u32 s7, $0x1;
	s7 =	sadd.s32 s21, s5  }
0x9f: {  	[timem:s9], [sflag:s22] =	dma.local [hbm:s7], s20  }
0xa0: {  	_ =	swait.ge [sflag:s22], s20  }
0xa1: {  	s6 =	ssub.s32 $0x0, s20;
	[sflag:s22] =	ssyncset.done $0x0  }
0xa2: {  	[sflag:s22] =	ssyncadd.s32 s6;
	_ =	sdelay $0x1  }
0xa3: {  	s23 =	simm.s32 $0x1B8B  }
0xa4: {  	_ =	swait.ge [sflag:s23], $0x1  }
0xa5: {  	[sflag:s23] =	ssyncset.done $0x0  }
0xa6: {  	s25 =	simm.s32 $0x1B8E;
	s24 =	sld [smem:$0x3FFE];
	[sflag:s23] =	ssyncadd.s32 $0xFFFFFFFF  }
0xa7: {  	s26 =	simm.s32 $execute0_lowered;
	[smem:$0x3FD2] =	sst s25  }
0xa8: {  	s7 =	sshll.u32 s26, $0x1;
	_ =	strace $0x80000046;
	[dreg:$0x1] =	wrdreg $0xFFFFFFFF  }
0xa9: {  	s28 =	simm.s32 $_size_execute0_lowered;
	s5 =	sadd.s32 s5, s7;
	[dreg:$0x0] =	wrdreg $0x0  }
0xaa: {  	s7 =	sshll.u32 s28, $0x1;
	[dreg:$0x2] =	wrdreg s5  }
0xab: {  	[dreg:$0x3] =	wrdreg s7  }
0xac: {  	[dreg:$0x4] =	wrdreg $0xC0  }
0xad: {  	_ =	task [dreg:s9], $0x5FFFF  }
0xae: {  	[dreg:$0x1] =	wrdreg $0xFFFFFFFF  }
0xaf: {  	[dreg:$0x0] =	wrdreg $0x60  }
0xb0: {  	[dreg:$0x2] =	wrdreg s24  }
0xb1: {  	[dreg:$0x3] =	wrdreg s2  }
0xb2: {  	[dreg:$0x4] =	wrdreg s18  }
0xb3: {  	[dreg:$0x5] =	wrdreg s4  }
0xb4: {  	[dreg:$0x6] =	wrdreg $0xC3000  }
0xb5: {  	[dreg:$0x7] =	wrdreg $0x9  }
0xb6: {  	_ =	task.clear_ibuf [dreg:s9], $0x8FFFF;
	_ =	strace $0x90000046  }
0xb7: {  	s29 =	simm.s32 $0x9;
	_ =	strace $0x80000048  }
0xb8: {  	_ =	swait.ge [sflag:s29], $0x1  }
0xb9: {  	[sflag:s29] =	ssyncadd.s32 $0xFFFFFFFF  }
0xba: {  	_ =	strace $0x90000048  }
0xbb: {  	_ =	sfence  }
0xbc: {  	s30 =	sld [smem:$0x0];
	_ =	sdelay $0x2  }
0xbd: {  	s31 =	sshll.u32 s1, $0xD;
	s1 =	sshrl.u32 s1, $0x2  }
0xbe: {  	s3 =	sand.u32 $0x4000, s31;
	s1 =	sadd.s32 s1, s30  }
0xbf: {  	s0 =	sor.u32 s3, s0;
	s1 =	sshll.u32 s1, $0x11  }
0xc0: {  	s0 =	sor.u32 s1, s0  }
0xc1: {  	s0 =	sadd.s32 $0x8F2B, s0  }
0xc2: {  	[sflag:s0] =	ssyncadd.remote.s32 $0x1  }
0xc3: {  	_ =	sfence.sel $0xFFFF  }
0xc4: {  	[dreg:$0x0] =	wrdreg $0xFFFFFFFF;
	(pc) =	sbr.abs _section_cstart, $3  }
0xc5: {  	[dreg:$0x1] =	wrdreg $0xFFFFFFFF  }
0xc6: {  	_ =	task.clear_ibuf [dreg:s9], $0x2FFFF;
	_ =	strace $0x9FFFFFFF  }
0xc7: {  	(tm) =	ssettm $0x7FFFFFFF  }
tec
execute0_lowered:
.L_overlay_start_1:
0x0: {  	(tag) =	ssettag $0x1  }
0x1: {  	s0 =	rddreg [dreg:$0x0]  }
0x2: {  	s1 =	rddreg [dreg:$0x1]  }
0x3: {  	s2 =	rddreg [dreg:$0x2]  }
0x4: {  	s4 =	rddreg [dreg:$0x4]  }
0x5: {  	s3 =	simm.s32 $0x0;
	s5 =	srdreg.scid;
	s15 =	simm.s32 $0x4  }
0x6: {  	s20 =	simm.s32 $0x1;
	s29 =	simm.s32 $0x60;
	s30 =	simm.s32 $0x200  }
0x7: {  	s31 =	simm.s32 $0x300;
	s23 =	simm.s32 $0x5;
	[smem:$0x7FF] =	sst s3  }
0x8: {  	s7 =	sadd.s32 $0x400, s0;
	s24 =	sadd.s32 $0x200, s0;
	s3 =	stileid.u32  }
0x9: {  	s0 =	sadd.s32 $0x30D800, s0;
	s5 =	sand.u32 $0x1, s5;
	s21 =	sadd.s32 $0x124800, s4  }
0xa: {  	s16 =	sadd.s32 $0x12C000, s4;
	_ =	strace $0x80000047;
	s6 =	smul.u32 $0x50000, s3  }
0xb: {  	[dreg:$0x9] =	wrdreg s24;
	s8 =	sxor.u32 $0xF, s3;
	s14 =	smul.u32 $0x1388, s5  }
0xc: {  	s10 =	ssub.s32 $0x2, s5;
	s12 =	smul.u32 $0x4E000, s3;
	[dreg:$0x8] =	wrdreg s29  }
0xd: {  	s25 =	smul.u32 $0x138, s3;
	s19 =	sshll.u32 s5, $0x5;
	[dreg:$0x7] =	wrdreg s30  }
0xe: {  	s5 =	smul.u32 $0x138800, s5;
	p0 =	seq.s32 s3, $0xF;
	[dreg:$0x6] =	wrdreg s31  }
0xf: {  	s24 =	simm.s32 $0x0;
	[dreg:$0xa] =	wrdreg s8;
	s11 =	sshrl.u32 s10, $0x1  }
0x10: {  	s16 =	sshrl.u32 @p0 s16, $0x3;
	s19 =	sshrl.u32 s19, $0x2;
	s21 =	sshrl.u32 @p0 s21, $0x3  }
0x11: {  	s6 =	sshrl.u32 s6, $0x2;
	s13 =	ssub.s32 s10, s11;
	s10 =	smul.u32 $0x60, s3  }
0x12: {  	s12 =	sshrl.u32 s12, $0x2;
	s11 =	sadd.s32 s25, s14;
	s5 =	sshrl.u32 s5, $0x3  }
.Ltmp0:
0x13: {  	s6 =	sadd.s32 s6, s4;
	s11 =	sshll.u32 s11, $0x5;
	(pc) =	sbr.rel .LBB2_1-.Ltmp0, $4  }
0x14: {  	s22 =	sadd.s32 s12, s4;
	s13 =	smax.u32 s13, $0x1;
	s26 =	sadd.s32 s0, s11  }
0x15: {  	s0 =	sadd.s32 s0, s5;
	s28 =	sadd.s32 $0x600, s10;
	s18 =	sshrl.u32 @!p0 s6, $0x3  }
0x16: {  	[dreg:$0xb] =	wrdreg s26;
	s12 =	sadd.s32 $0x24900, s0;
	s0 =	sshll.u32 @!p0 s3, $0x6  }
0x17: {  	v0 =	vmov s14;
	s22 =	sshrl.u32 @!p0 s22, $0x3;
	[dreg:$0xc] =	wrdreg s28;
	s17 =	sor.u32 @!p0 $0x1C04, s0  }
.LBB2_4:
0x18: {  	v1 =	vld @!p3 [tilespmem:$0x1D0]  }
0x19: {  	v2 =	vld @!p3 [tilespmem:$0x1C0]  }
0x1a: {  	v3 =	vld @!p3 [tilespmem:$0x1B0]  }
0x1b: {  	v4 =	vld @!p3 [tilespmem:$0x1A0]  }
0x1c: {  	v5 =	vld @!p3 [tilespmem:$0x190]  }
0x1d: {  	v6 =	vld @!p3 [tilespmem:$0x180];
	v1 =	vsub.s32 @!p3 v1, v0  }
0x1e: {  	v2 =	vsub.s32 @!p3 v2, v0;
	v1 =	vmin.u32 @!p3 v1, $0x1388  }
0x1f: {  	v3 =	vsub.s32 @!p3 v3, v0;
	v2 =	vmin.u32 @!p3 v2, $0x1388;
	[tilespmem:$0x250] =	vst @!p3 v1  }
0x20: {  	v3 =	vmin.u32 @!p3 v3, $0x1388;
	v1 =	vsub.s32 @!p3 v4, v0;
	[tilespmem:$0x240] =	vst @!p3 v2  }
0x21: {  	v2 =	vsub.s32 @!p3 v5, v0;
	[tilespmem:$0x230] =	vst @!p3 v3;
	v1 =	vmin.u32 @!p3 v1, $0x1388  }
0x22: {  	v3 =	vsub.s32 @!p3 v6, v0;
	v2 =	vmin.u32 @!p3 v2, $0x1388;
	[tilespmem:$0x220] =	vst @!p3 v1  }
0x23: {  	v1 =	vmin.u32 @!p3 v3, $0x1388;
	[tilespmem:$0x210] =	vst @!p3 v2  }
0x24: {  	s0 =	simm.s32 @!p3 $0x60;
	s3 =	simm.s32 @!p3 $0x300;
	s8 =	simm.s32 @!p1 $0x2;
	[tilespmem:$0x200] =	vst @!p3 v1  }
0x25: {  	[tilespmem:s3], [sflag:$0x1] =	stream.indirect.gather @!p3 [hbm4b:s7+s0], $0x100, s14, s0, $0xb8;
	[tilespmem:$0x1FC00] =	vst v63  }
0x26: {  	_ =	swait.ge @!p1 [sflag:s8], $0x6000  }
0x27: {  	[sflag:s8] =	ssyncset.done @!p1 $0x0  }
0x28: {  	s0 =	simm.s32 @!p1 $0x4;
	s3 =	simm.s32 @!p1 $0x280;
	[sflag:s8] =	ssyncadd.s32 @!p1 $0xFFFFA000  }
0x29: {  	[spmem:s4] =	stream.indirect.scatter.add.f32 @!p1 [tilespmem:s5], [sflag:$0x4], $0x100, s3, s6, $0xb8;
	[tilespmem:$0x1FC00] =	vst v63  }
0x2a: {  	_ =	swait.ge @!p1 [sflag:s0], $0x6000  }
0x2b: {  	[sflag:s0] =	ssyncset.done @!p1 $0x0  }
0x2c: {  	[sflag:s0] =	ssyncadd.s32 @!p1 $0xFFFFA000  }
.LBB2_5:
0x2d: {  	[bflag:$0x0] =	sbarrier.arrive $0xFFFF  }
0x2e: {  	[hbm:s12], [sflag:s28] =	dma.local @p0 [spmem:s21], $0x2800  }
0x2f: {  	s24 =	sadd.s32 $0x1, s24;
	_ =	swait.ge @p0 [sflag:s26], $0x2800  }
0x30: {  	p1 =	sne.s32 s24, s13;
	[sflag:s26] =	ssyncset.done @p0 $0x0  }
.Ltmp1:
0x31: {  	s0 =	rddreg [dreg:$0xb];
	[sflag:s26] =	ssyncadd.s32 @p0 $0xFFFFD800;
	(pc) =	sbr.rel @!p1 .LBB2_6-.Ltmp1, $4  }
0x32: {  	[hbm:s0], [sflag:s17] =	dma.local @!p0 [spmem:s22], $0x2700  }
0x33: {  	_ =	swait.ge @!p0 [sflag:s25], $0x2700  }
0x34: {  	[sflag:s25] =	ssyncset.done @!p0 $0x0  }
0x35: {  	[sflag:s25] =	ssyncadd.s32 @!p0 $0xFFFFD900  }
.LBB2_1:
0x36: {  	s0 =	simm.s32 $0x0;
	s3 =	rddreg [dreg:$0x9]  }
0x37: {  	[tilespmem:s0], [sflag:$0x4] =	stream.linear.gather [hbm4b:s3+s0], $0x80, $0x38;
	[tilespmem:$0x1FC00] =	vst v63  }
0x38: {  	_ =	swait.ge [sflag:s15], $0x80  }
0x39: {  	[sflag:s15] =	ssyncset.done $0x0  }
0x3a: {  	[sflag:s15] =	ssyncadd.s32 $0xFFFFFF80  }
0x3b: {  	s28 =	simm.s32 @p0 $0x1FC4;
	s26 =	simm.s32 @p0 $0x4;
	s0 =	rddreg [dreg:$0x3]  }
0x3c: {  	[spmem:s16], [sflag:s28] =	dma.local @p0 [hbm:s0], $0x1A00  }
0x3d: {  	_ =	swait.ge @p0 [sflag:s26], $0x1A00  }
0x3e: {  	[sflag:s26] =	ssyncset.done @p0 $0x0  }
0x3f: {  	s25 =	simm.s32 @!p0 $0x4;
	[sflag:s26] =	ssyncadd.s32 @p0 $0xFFFFE600  }
0x40: {  	[spmem:s18], [sflag:s17] =	dma.local @!p0 [hbm:s0], $0x2800  }
0x41: {  	_ =	swait.ge @!p0 [sflag:s25], $0x2800  }
0x42: {  	[sflag:s25] =	ssyncset.done @!p0 $0x0  }
0x43: {  	[sflag:s25] =	ssyncadd.s32 @!p0 $0xFFFFD800  }
0x44: {  	v1 =	vld [tilespmem:s19+$0x0];
	_ =	sdelay $0x4  }
0x45: {  	(v2sf) =	vpush v1, $0x0;
	_ =	sdelay $0x7  }
0x46: {  	(v2sf) =	vpush v1, $0x1;
	_ =	sdelay $0x6  }
0x47: {  	s14 =	rddreg [dreg:$0xa];
	s11 =	spop (v2sf)  }
0x48: {  	s0 =	sadd.s32 s14, s11  }
0x49: {  	s5 =	sand.u32 $0xF, s0  }
0x4a: {  	s6 =	sshra.s32 s0, $0x1F;
	p1 =	slt.s32 s0, $0x1;
	p2 =	sne.s32 s5, $0x0  }
0x4b: {  	s30 =	sshrl.u32 s6, $0x1C;
	p1 =	por !p1, !p2  }
0x4c: {  	s5 =	simm.s32 $0x1;
	s0 =	sadd.s32 s30, s0;
	p1 =	por !p1, !p1  }
0x4d: {  	s0 =	sshra.s32 s0, $0x4;
	s5 =	simm.s32 @!p1 $0x0  }
0x4e: {  	s29 =	ssub.s32 s0, s5  }
0x4f: {  	s5 =	spop (v2sf);
	p1 =	slt.s32 s29, $0x1  }
0x50: {  	s0 =	sadd.s32 @!p1 s10, s5  }
0x51: {  	[bflag:$0x0] =	sbarrier.arrive $0xFFFF;
	s0 =	sshrl.u32 @!p1 s0, $0x3  }
0x52: {  	s14 =	simm.s32 @!p1 $0x0;
	s30 =	simm.s32 @!p1 $0x80;
	s6 =	sadd.s32 @!p1 s1, s0  }
0x53: {  	[tilespmem:s30], [sflag:$0x3] =	stream.linear.gather @!p1 [hbm4b:s6+s14], $0x60, $0x38;
	[tilespmem:$0x1FC00] =	vst v63  }
0x54: {  	s0 =	sadd.s32 @!p1 s2, s0;
	s6 =	simm.s32 @!p1 $0x180  }
0x55: {  	[tilespmem:s6], [sflag:$0x3] =	stream.linear.gather @!p1 [hbm4b:s0+s14], $0x60, $0x38;
	[tilespmem:$0x1FC00] =	vst v63  }
0x56: {  	s0 =	simm.s32 @!p1 $0x3  }
0x57: {  	_ =	swait.ge @!p1 [sflag:s0], $0x60  }
0x58: {  	[sflag:s0] =	ssyncset.done @!p1 $0x0  }
0x59: {  	[sflag:s0] =	ssyncadd.s32 @!p1 $0xFFFFFFA0  }
0x5a: {  	_ =	swait.ge @!p1 [sflag:s0], $0x60  }
0x5b: {  	[sflag:s0] =	ssyncset.done @!p1 $0x0  }
0x5c: {  	[sflag:s0] =	ssyncadd.s32 @!p1 $0xFFFFFFA0  }
0x5d: {  	v1 =	vld @!p1 [tilespmem:$0x180]  }
0x5e: {  	v2 =	vld @!p1 [tilespmem:$0x190]  }
0x5f: {  	v3 =	vld @!p1 [tilespmem:$0x1A0]  }
0x60: {  	v4 =	vld @!p1 [tilespmem:$0x1B0]  }
0x61: {  	v5 =	vld @!p1 [tilespmem:$0x1C0]  }
0x62: {  	v6 =	vld @!p1 [tilespmem:$0x1D0];
	v1 =	vsub.s32 @!p1 v1, v0  }
0x63: {  	v2 =	vsub.s32 @!p1 v2, v0;
	v1 =	vmin.u32 @!p1 v1, $0x1388  }
0x64: {  	[tilespmem:$0x200] =	vst @!p1 v1;
	v1 =	vmin.u32 @!p1 v2, $0x1388;
	v2 =	vsub.s32 @!p1 v3, v0  }
0x65: {  	[tilespmem:$0x210] =	vst @!p1 v1;
	v1 =	vmin.u32 @!p1 v2, $0x1388;
	v2 =	vsub.s32 @!p1 v4, v0  }
0x66: {  	[tilespmem:$0x220] =	vst @!p1 v1;
	v1 =	vmin.u32 @!p1 v2, $0x1388;
	v2 =	vsub.s32 @!p1 v5, v0  }
0x67: {  	p2 =	sgt.s32 s29, $0x0;
	[tilespmem:$0x230] =	vst @!p1 v1;
	v1 =	vmin.u32 @!p1 v2, $0x1388;
	v2 =	vsub.s32 @!p1 v6, v0  }
0x68: {  	s29 =	simm.s32 @!p2 $0x0;
	[tilespmem:$0x240] =	vst @!p1 v1;
	v1 =	vmin.u32 @!p1 v2, $0x1388  }
0x69: {  	s31 =	sadd.s32 $0x1, s29;
	s6 =	simm.s32 @!p1 $0x300;
	s0 =	simm.s32 @!p1 $0x60;
	[tilespmem:$0x250] =	vst @!p1 v1  }
0x6a: {  	[tilespmem:s6], [sflag:$0x1] =	stream.indirect.gather @!p1 [hbm4b:s7+s0], $0x100, s30, s0, $0xb8;
	[tilespmem:$0x1FC00] =	vst v63  }
0x6b: {  	s0 =	sshrl.u32 s31, $0x1  }
0x6c: {  	p1 =	seq.s32 s0, $0x0  }
.Ltmp2:
0x6d: {  	_ = 	snop;
	(pc) =	sbr.rel @p1 .LBB2_5-.Ltmp2, $1  }
0x6e: {  	_ =	sdelay $0x3  }
0x6f: {  	s3 =	rddreg [dreg:$0xc]  }
0x70: {  	p1 =	sle.u32 s29, $0x1;
	s30 =	sadd.s32 s5, s3  }
0x71: {  	s5 =	sshrl.u32 @!p1 s30, $0x3  }
0x72: {  	s14 =	simm.s32 @!p1 $0x100;
	s31 =	simm.s32 @!p1 $0x0;
	s6 =	sadd.s32 @!p1 s1, s5  }
0x73: {  	[tilespmem:s14], [sflag:$0x3] =	stream.linear.gather @!p1 [hbm4b:s6+s31], $0x60, $0x38;
	[tilespmem:$0x1FC00] =	vst v63  }
0x74: {  	s3 =	simm.s32 @!p1 $0x3;
	s5 =	sadd.s32 @!p1 s2, s5;
	s6 =	simm.s32 @!p1 $0x180  }
0x75: {  	[tilespmem:s6], [sflag:$0x3] =	stream.linear.gather @!p1 [hbm4b:s5+s31], $0x60, $0x38;
	[tilespmem:$0x1FC00] =	vst v63  }
0x76: {  	_ =	swait.ge @!p1 [sflag:s3], $0x60;
	p1 =	por p1, p1  }
0x77: {  	[sflag:s3] =	ssyncset.done @!p1 $0x0  }
0x78: {  	[sflag:s3] =	ssyncadd.s32 @!p1 $0xFFFFFFA0  }
0x79: {  	_ =	swait.ge @!p1 [sflag:s3], $0x60  }
0x7a: {  	[sflag:s3] =	ssyncset.done @!p1 $0x0  }
0x7b: {  	[sflag:s3] =	ssyncadd.s32 @!p1 $0xFFFFFFA0  }
0x7c: {  	v1 =	vld @!p1 [tilespmem:$0x1D0]  }
0x7d: {  	v2 =	vld @!p1 [tilespmem:$0x1B0]  }
0x7e: {  	v3 =	vld @!p1 [tilespmem:$0x1A0]  }
0x7f: {  	v4 =	vld @!p1 [tilespmem:$0x190]  }
0x80: {  	v5 =	vld @!p1 [tilespmem:$0x1C0]  }
0x81: {  	v6 =	vld @!p1 [tilespmem:$0x180];
	v1 =	vsub.s32 @!p1 v1, v0  }
0x82: {  	v2 =	vsub.s32 @!p1 v2, v0;
	v1 =	vmin.u32 @!p1 v1, $0x1388  }
0x83: {  	v3 =	vsub.s32 @!p1 v3, v0;
	v2 =	vmin.u32 @!p1 v2, $0x1388;
	[tilespmem:$0x2D0] =	vst @!p1 v1  }
0x84: {  	v3 =	vmin.u32 @!p1 v3, $0x1388;
	v1 =	vsub.s32 @!p1 v4, v0;
	[tilespmem:$0x2B0] =	vst @!p1 v2  }
0x85: {  	[tilespmem:$0x2A0] =	vst @!p1 v3;
	v2 =	vsub.s32 @!p1 v5, v0;
	v1 =	vmin.u32 @!p1 v1, $0x1388  }
0x86: {  	v3 =	vsub.s32 @!p1 v6, v0;
	[tilespmem:$0x290] =	vst @!p1 v1;
	v1 =	vmin.u32 @!p1 v2, $0x1388  }
0x87: {  	v2 =	vmin.u32 @!p1 v3, $0x1388;
	[tilespmem:$0x2C0] =	vst @!p1 v1  }
0x88: {  	s6 =	simm.s32 @!p1 $0x60;
	s5 =	simm.s32 @!p1 $0x6300;
	[tilespmem:$0x280] =	vst @!p1 v2  }
0x89: {  	[tilespmem:s5], [sflag:$0x2] =	stream.indirect.gather @!p1 [hbm4b:s7+s6], $0x100, s14, s6, $0xb8;
	[tilespmem:$0x1FC00] =	vst v63  }
0x8a: {  	_ =	swait.ge [sflag:s20], $0x6000  }
0x8b: {  	s9 =	rddreg [dreg:$0x6]  }
0x8c: {  	p3 =	sle.u32 s29, $0x2;
	s11 =	rddreg [dreg:$0x8];
	[sflag:s20] =	ssyncset.done $0x0  }
0x8d: {  	s3 =	sadd.s32 @!p3 $0x600, s30;
	s31 =	rddreg [dreg:$0x7];
	[sflag:s20] =	ssyncadd.s32 $0xFFFFA000  }
0x8e: {  	[spmem:s4] =	stream.indirect.scatter.add.f32 [tilespmem:s9], [sflag:$0x5], $0x100, s31, s11, $0xb8;
	[tilespmem:$0x1FC00] =	vst v63  }
0x8f: {  	s3 =	sshrl.u32 @!p3 s3, $0x3;
	_ =	swait.ge [sflag:s23], $0x6000  }
0x90: {  	s8 =	sadd.s32 @!p3 s1, s3;
	[sflag:s23] =	ssyncset.done $0x0  }
0x91: {  	s14 =	simm.s32 @!p3 $0x80;
	s31 =	simm.s32 @!p3 $0x0;
	[sflag:s23] =	ssyncadd.s32 $0xFFFFA000  }
0x92: {  	[tilespmem:s14], [sflag:$0x3] =	stream.linear.gather @!p3 [hbm4b:s8+s31], $0x60, $0x38;
	[tilespmem:$0x1FC00] =	vst v63  }
0x93: {  	s3 =	sadd.s32 @!p3 s2, s3;
	s8 =	simm.s32 @!p3 $0x180  }
0x94: {  	[tilespmem:s8], [sflag:$0x3] =	stream.linear.gather @!p3 [hbm4b:s3+s31], $0x60, $0x38;
	[tilespmem:$0x1FC00] =	vst v63  }
0x95: {  	s9 =	simm.s32 @!p3 $0x3;
	s31 =	sshll.u32 s0, $0x1  }
0x96: {  	_ =	swait.ge @!p3 [sflag:s9], $0x60;
	p2 =	sne.s32 s31, $0x2  }
.Ltmp3:
0x97: {  	[sflag:s9] =	ssyncset.done @!p3 $0x0;
	(pc) =	sbr.rel @!p2 .LBB2_4-.Ltmp3, $4  }
0x98: {  	[sflag:s9] =	ssyncadd.s32 @!p3 $0xFFFFFFA0  }
0x99: {  	_ =	swait.ge @!p3 [sflag:s9], $0x60  }
0x9a: {  	[sflag:s9] =	ssyncset.done @!p3 $0x0  }
0x9b: {  	s0 =	simm.s32 $0x2;
	[sflag:s9] =	ssyncadd.s32 @!p3 $0xFFFFFFA0  }
.LBB2_3:
0x9c: {  	v1 =	vld @!p3 [tilespmem:$0x1D0]  }
0x9d: {  	v2 =	vld @!p3 [tilespmem:$0x1C0]  }
0x9e: {  	v3 =	vld @!p3 [tilespmem:$0x1B0]  }
0x9f: {  	v4 =	vld @!p3 [tilespmem:$0x1A0]  }
0xa0: {  	v5 =	vld @!p3 [tilespmem:$0x190]  }
0xa1: {  	v6 =	vld @!p3 [tilespmem:$0x180];
	v1 =	vsub.s32 @!p3 v1, v0  }
0xa2: {  	v2 =	vsub.s32 @!p3 v2, v0;
	v1 =	vmin.u32 @!p3 v1, $0x1388  }
0xa3: {  	v3 =	vsub.s32 @!p3 v3, v0;
	v2 =	vmin.u32 @!p3 v2, $0x1388;
	[tilespmem:$0x250] =	vst @!p3 v1  }
0xa4: {  	v3 =	vmin.u32 @!p3 v3, $0x1388;
	v1 =	vsub.s32 @!p3 v4, v0;
	[tilespmem:$0x240] =	vst @!p3 v2  }
0xa5: {  	v2 =	vsub.s32 @!p3 v5, v0;
	[tilespmem:$0x230] =	vst @!p3 v3;
	v1 =	vmin.u32 @!p3 v1, $0x1388  }
0xa6: {  	v3 =	vsub.s32 @!p3 v6, v0;
	v2 =	vmin.u32 @!p3 v2, $0x1388;
	[tilespmem:$0x220] =	vst @!p3 v1  }
0xa7: {  	v1 =	vmin.u32 @!p3 v3, $0x1388;
	[tilespmem:$0x210] =	vst @!p3 v2  }
0xa8: {  	s8 =	simm.s32 @!p3 $0x60;
	s9 =	simm.s32 @!p3 $0x300;
	s11 =	simm.s32 @!p1 $0x2;
	[tilespmem:$0x200] =	vst @!p3 v1  }
0xa9: {  	[tilespmem:s9], [sflag:$0x1] =	stream.indirect.gather @!p3 [hbm4b:s7+s8], $0x100, s14, s8, $0xb8;
	[tilespmem:$0x1FC00] =	vst v63  }
0xaa: {  	s3 =	smov.u32 s0;
	_ =	swait.ge @!p1 [sflag:s11], $0x6000  }
0xab: {  	s3 =	sadd.s32 $0x1, s3;
	[sflag:s11] =	ssyncset.done @!p1 $0x0  }
0xac: {  	s8 =	simm.s32 @!p1 $0x4;
	s9 =	simm.s32 @!p1 $0x280;
	[sflag:s11] =	ssyncadd.s32 @!p1 $0xFFFFA000  }
0xad: {  	[spmem:s4] =	stream.indirect.scatter.add.f32 @!p1 [tilespmem:s5], [sflag:$0x4], $0x100, s9, s6, $0xb8;
	[tilespmem:$0x1FC00] =	vst v63  }
0xae: {  	s30 =	sadd.s32 $0xC00, s30;
	p3 =	sge.u32 s3, s29;
	_ =	swait.ge @!p1 [sflag:s8], $0x6000  }
0xaf: {  	s3 =	sshrl.u32 @!p3 s30, $0x3;
	s14 =	simm.s32 @!p3 $0x100;
	[sflag:s8] =	ssyncset.done @!p1 $0x0  }
0xb0: {  	s5 =	sadd.s32 @!p3 s1, s3;
	s6 =	simm.s32 @!p3 $0x0;
	[sflag:s8] =	ssyncadd.s32 @!p1 $0xFFFFA000  }
0xb1: {  	[tilespmem:s14], [sflag:$0x3] =	stream.linear.gather @!p3 [hbm4b:s5+s6], $0x60, $0x38;
	[tilespmem:$0x1FC00] =	vst v63  }
0xb2: {  	s3 =	sadd.s32 @!p3 s2, s3;
	s8 =	simm.s32 @!p3 $0x3;
	s5 =	simm.s32 @!p3 $0x180  }
0xb3: {  	[tilespmem:s5], [sflag:$0x3] =	stream.linear.gather @!p3 [hbm4b:s3+s6], $0x60, $0x38;
	[tilespmem:$0x1FC00] =	vst v63  }
0xb4: {  	p1 =	por p3, p3;
	_ =	swait.ge @!p3 [sflag:s8], $0x60  }
0xb5: {  	[sflag:s8] =	ssyncset.done @!p1 $0x0  }
0xb6: {  	[sflag:s8] =	ssyncadd.s32 @!p1 $0xFFFFFFA0  }
0xb7: {  	_ =	swait.ge @!p1 [sflag:s8], $0x60  }
0xb8: {  	[sflag:s8] =	ssyncset.done @!p1 $0x0  }
0xb9: {  	[sflag:s8] =	ssyncadd.s32 @!p1 $0xFFFFFFA0  }
0xba: {  	v1 =	vld @!p1 [tilespmem:$0x1D0]  }
0xbb: {  	v2 =	vld @!p1 [tilespmem:$0x1B0]  }
0xbc: {  	v3 =	vld @!p1 [tilespmem:$0x1A0]  }
0xbd: {  	v4 =	vld @!p1 [tilespmem:$0x190]  }
0xbe: {  	v5 =	vld @!p1 [tilespmem:$0x1C0]  }
0xbf: {  	v6 =	vld @!p1 [tilespmem:$0x180];
	v1 =	vsub.s32 @!p1 v1, v0  }
0xc0: {  	v2 =	vsub.s32 @!p1 v2, v0;
	v1 =	vmin.u32 @!p1 v1, $0x1388  }
0xc1: {  	v3 =	vsub.s32 @!p1 v3, v0;
	v2 =	vmin.u32 @!p1 v2, $0x1388;
	[tilespmem:$0x2D0] =	vst @!p1 v1  }
0xc2: {  	v3 =	vmin.u32 @!p1 v3, $0x1388;
	v1 =	vsub.s32 @!p1 v4, v0;
	[tilespmem:$0x2B0] =	vst @!p1 v2  }
0xc3: {  	[tilespmem:$0x2A0] =	vst @!p1 v3;
	v2 =	vsub.s32 @!p1 v5, v0;
	v1 =	vmin.u32 @!p1 v1, $0x1388  }
0xc4: {  	v3 =	vsub.s32 @!p1 v6, v0;
	[tilespmem:$0x290] =	vst @!p1 v1;
	v1 =	vmin.u32 @!p1 v2, $0x1388  }
0xc5: {  	v2 =	vmin.u32 @!p1 v3, $0x1388;
	[tilespmem:$0x2C0] =	vst @!p1 v1  }
0xc6: {  	s6 =	simm.s32 @!p1 $0x60;
	s5 =	simm.s32 @!p1 $0x6300;
	[tilespmem:$0x280] =	vst @!p1 v2  }
0xc7: {  	[tilespmem:s5], [sflag:$0x2] =	stream.indirect.gather @!p1 [hbm4b:s7+s6], $0x100, s14, s6, $0xb8;
	[tilespmem:$0x1FC00] =	vst v63  }
0xc8: {  	_ =	swait.ge [sflag:s20], $0x6000  }
0xc9: {  	s9 =	rddreg [dreg:$0x6]  }
0xca: {  	s0 =	sadd.s32 $0x2, s0;
	s11 =	rddreg [dreg:$0x8];
	[sflag:s20] =	ssyncset.done $0x0  }
0xcb: {  	p3 =	sge.u32 s0, s29;
	s14 =	rddreg [dreg:$0x7];
	[sflag:s20] =	ssyncadd.s32 $0xFFFFA000  }
0xcc: {  	[spmem:s4] =	stream.indirect.scatter.add.f32 [tilespmem:s9], [sflag:$0x5], $0x100, s14, s11, $0xb8;
	[tilespmem:$0x1FC00] =	vst v63  }
0xcd: {  	s3 =	sadd.s32 @!p3 $0x600, s30;
	_ =	swait.ge [sflag:s23], $0x6000  }
0xce: {  	s3 =	sshrl.u32 @!p3 s3, $0x3;
	s8 =	simm.s32 @!p3 $0x0;
	[sflag:s23] =	ssyncset.done $0x0  }
0xcf: {  	s14 =	simm.s32 @!p3 $0x80;
	s9 =	sadd.s32 @!p3 s1, s3;
	[sflag:s23] =	ssyncadd.s32 $0xFFFFA000  }
0xd0: {  	[tilespmem:s14], [sflag:$0x3] =	stream.linear.gather @!p3 [hbm4b:s9+s8], $0x60, $0x38;
	[tilespmem:$0x1FC00] =	vst v63  }
0xd1: {  	s3 =	sadd.s32 @!p3 s2, s3;
	s11 =	simm.s32 @!p3 $0x3;
	s9 =	simm.s32 @!p3 $0x180  }
0xd2: {  	[tilespmem:s9], [sflag:$0x3] =	stream.linear.gather @!p3 [hbm4b:s3+s8], $0x60, $0x38;
	[tilespmem:$0x1FC00] =	vst v63  }
0xd3: {  	p2 =	sne.s32 s31, s0;
	_ =	swait.ge @!p3 [sflag:s11], $0x60  }
.Ltmp4:
0xd4: {  	[sflag:s11] =	ssyncset.done @!p3 $0x0;
	(pc) =	sbr.rel @p2 .LBB2_3-.Ltmp4, $4  }
0xd5: {  	[sflag:s11] =	ssyncadd.s32 @!p3 $0xFFFFFFA0  }
0xd6: {  	_ =	swait.ge @!p3 [sflag:s11], $0x60  }
0xd7: {  	[sflag:s11] =	ssyncset.done @!p3 $0x0  }
0xd8: {  	[sflag:s11] =	ssyncadd.s32 @!p3 $0xFFFFFFA0  }
.Ltmp5:
0xd9: {  	_ = 	snop;
	(pc) =	sbr.rel .LBB2_4-.Ltmp5, $1  }
0xda: {  	_ =	sdelay $0x3  }
.LBB2_6:
0xdb: {  	_ =	sfence.sel $0x180000  }
0xdc: {  	[bflag:$0x0] =	sbarrier.arrive $0xFFFF  }
0xdd: {  	_ =	strace $0x90000047  }
0xde: {  	s0 =	stileid.u32;
	[bflag:$0x2] =	sbarrier.arrive $0xFFFF  }
0xdf: {  	p0 =	sne.s32 s0, $0x0;
	s0 =	rddreg [dreg:$0x5]  }
0xe0: {  	s0 =	sadd.s32 @!p0 $0x100000, s0  }
0xe1: {  	[sflag:s0] =	ssyncadd.tile.s32 @!p0 $0x1;
	_ =	shalt  }
.Lfunc_end2:
_tile_overlayer_lowered:
.L_overlay_start_2:
0xe2: {  	(tag) =	ssettag $0x2  }
0xe3: {  	s0 =	rddreg [dreg:$0x0];
	s2 =	stileid.u32  }
0xe4: {  	s1 =	rddreg [dreg:$0x1];
	p0 =	sne.s32 s2, $0x0  }
0xe5: {  	s3 =	rddreg [dreg:$0x2];
	[bflag:$0x3] =	sbarrier.arrive $0xFFFF;
	s2 =	simm.s32 @!p0 $0x1C04  }
0xe6: {  	[timem:s3], [sflag:s2] =	dma.local @!p0 [hbm:s0], s1  }
0xe7: {  	s0 =	simm.s32 @!p0 $0x4  }
0xe8: {  	_ =	swait.ge @!p0 [sflag:s0], s1  }
0xe9: {  	s1 =	ssub.s32 @!p0 $0x0, s1;
	[sflag:s0] =	ssyncset.done @!p0 $0x0  }
0xea: {  	[sflag:s0] =	ssyncadd.s32 @!p0 s1  }
0xeb: {  	[bflag:$0x3] =	sbarrier.arrive $0xFFFF  }
0xec: {  	_ =	shalt  }

</sc_bundles>
